<compile_context>
chip_gen: v7x
topology: tpu7x:2x2x1
jax: 0.10.2.dev20260603
libtpu: 0.0.44.dev20260713+nightly
codegen_flags: <defaults>
</compile_context>

<pallas_src>
import dataclasses

import jax
import jax.numpy as jnp
from jax import lax
from jax.experimental import pallas as pl
from jax.experimental.pallas import tpu as pltpu
from jax.experimental.pallas import tpu_sc as plsc

NN = 10000
NE = 320000
DF = 128
HF = 128
CF = 16

NC = 2
NS = 16
LANES = 16

CW = 128
KH3 = 160
CM = 128
GT = 8
NG = 10
KM = NG * GT
EMP = NC * NS * KM * CM
PADM = EMP - NE
NP = 10240
RPS = NP // NS

_mesh = plsc.VectorSubcoreMesh(core_axis_name="c", subcore_axis_name="s")


def _hist_body(idx_hbm, zeros_hbm, deg_hbm, idx_v, cnt_v, part_v, acc_v,
               out16_v, sh_sh):
    c = lax.axis_index("c")
    s = lax.axis_index("s")
    pltpu.sync_copy(zeros_hbm, cnt_v)
    pltpu.sync_copy(idx_hbm.at[c, s], idx_v)
    ones16 = jnp.full((LANES,), 1.0, jnp.float32)

    @pl.loop(0, KH3)
    def _(r):
        for k in range(CW // LANES):
            iv = idx_v[r, pl.ds(k * LANES, LANES)]
            plsc.addupdate_scatter(cnt_v, [iv], ones16)

    pltpu.sync_copy(cnt_v, sh_sh.at[s])
    plsc.subcore_barrier()

    pltpu.sync_copy(sh_sh.at[pl.ds(0, NS), pl.ds(s * RPS, RPS)], part_v)

    @pl.loop(0, RPS // LANES)
    def _(g):
        sl = pl.ds(g * LANES, LANES)
        v = part_v[0, sl]
        for k in range(1, NS):
            v = v + part_v[k, sl]
        acc_v[sl] = v

    iot = lax.iota(jnp.int32, LANES)
    HH = RPS // 2

    @pl.loop(0, 2)
    def _(hh):
        @pl.loop(0, HH // LANES)
        def _(g):
            v = acc_v[pl.ds(hh * HH + g * LANES, LANES)]

            for j in range(LANES):
                plsc.store_scatter(
                    out16_v,
                    [iot + g * LANES, jnp.full((LANES,), j, jnp.int32)], v)

        pltpu.sync_copy(out16_v,
                        deg_hbm.at[c, pl.ds(s * RPS + hh * HH, HH)])


HCM = CM // 2


def _msg_body(ems_hbm, emd_hbm, h_hbm, zeros_hbm, out_hbm, st_v, dt_v,
              rows_v, acc_sh, gsem, isem):
    c = lax.axis_index("c")
    s = lax.axis_index("s")
    pltpu.sync_copy(zeros_hbm.at[pl.ds(s * RPS, RPS)],
                    acc_sh.at[pl.ds(s * RPS, RPS)])
    plsc.subcore_barrier()
    pltpu.sync_copy(ems_hbm.at[c, s, 0], st_v.at[0])
    pltpu.sync_copy(emd_hbm.at[c, s, 0], dt_v.at[0])
    pltpu.async_copy(ems_hbm.at[c, s, 1], st_v.at[1], isem)
    pltpu.async_copy(emd_hbm.at[c, s, 1], dt_v.at[1], isem)
    pltpu.async_copy(h_hbm.at[st_v.at[0, 0]], rows_v.at[0], gsem)

    @pl.loop(0, KM)
    def _(j):
        g = j // GT
        t = j - g * GT
        p = j % 2
        q = g % 2
        pltpu.make_async_copy(h_hbm.at[st_v.at[0, 0]], rows_v.at[p],
                              gsem).wait()

        nx = j + 1

        @pl.when((nx % GT == 0) & (nx < KM))
        def _():
            pltpu.make_async_copy(ems_hbm.at[c, s, 0], st_v.at[0],
                                  isem).wait()
            pltpu.make_async_copy(emd_hbm.at[c, s, 0], dt_v.at[0],
                                  isem).wait()

        @pl.when(nx < KM)
        def _():
            pltpu.async_copy(
                h_hbm.at[st_v.at[(nx // GT) % 2, nx % GT]],
                rows_v.at[nx % 2], gsem)

        pltpu.sync_copy(rows_v.at[p], acc_sh.at[dt_v.at[q, t]], add=True)

        @pl.when((t == 0) & (g >= 1) & (g + 1 < NG))
        def _():
            pltpu.async_copy(ems_hbm.at[c, s, g + 1], st_v.at[1 - q], isem)
            pltpu.async_copy(emd_hbm.at[c, s, g + 1], dt_v.at[1 - q], isem)

    plsc.subcore_barrier()
    pltpu.sync_copy(acc_sh.at[pl.ds(s * RPS, RPS)],
                    out_hbm.at[c, pl.ds(s * RPS, RPS)])


_cp = pltpu.CompilerParams()
if "needs_layout_passes" in pltpu.CompilerParams.__dataclass_fields__:
    _cp = dataclasses.replace(_cp, needs_layout_passes=False)


@jax.jit
def _sc_hist(eh, zeros1):
    return pl.kernel(
        _hist_body,
        out_type=jax.ShapeDtypeStruct((2, NP, 16), jnp.float32),
        mesh=_mesh,
        compiler_params=_cp,
        scratch_types=[
            pltpu.VMEM((KH3, CW), jnp.int32),
            pltpu.VMEM((NP,), jnp.float32),
            pltpu.VMEM((NS, RPS), jnp.float32),
            pltpu.VMEM((RPS,), jnp.float32),
            pltpu.VMEM((RPS // 2, 16), jnp.float32),
            pltpu.VMEM_SHARED((NS, NP), jnp.float32),
        ],
    )(eh, zeros1)


@jax.jit
def _sc_msg(ems, emd, h, zeros128):
    return pl.kernel(
        _msg_body,
        out_type=jax.ShapeDtypeStruct((NC, NP, DF), jnp.float32),
        mesh=_mesh,
        scratch_types=[
            pltpu.VMEM((2, GT, CM), jnp.int32),
            pltpu.VMEM((2, GT, CM), jnp.int32),
            pltpu.VMEM((2, CM, DF), jnp.float32),
            pltpu.VMEM_SHARED((NP, DF), jnp.float32),
            pltpu.SemaphoreType.DMA,
            pltpu.SemaphoreType.DMA,
        ],
    )(ems, emd, h, zeros128)


def _norm_col(deg_block):
    d = deg_block[:, 0:1]
    return jnp.where(d > 0, lax.rsqrt(jnp.maximum(d, 1e-12)), 0.0)


def _scale_body(x_ref, deg_ref, h_ref):
    row = lax.broadcasted_iota(jnp.int32, (BS, 1), 0) + pl.program_id(0) * BS
    h = x_ref[...] * _norm_col(deg_ref[0])
    h_ref[...] = jnp.where(row < NN, h, 0.0)


def _final_body(p_ref, deg_ref, w1_ref, b1_ref, wfc_ref, bfc_ref, o_ref):
    agg = (p_ref[0] + p_ref[1]) * _norm_col(deg_ref[0])
    z = jnp.dot(agg, w1_ref[...], preferred_element_type=jnp.float32)
    z = jnp.maximum(z + b1_ref[...], 0.0)
    o = jnp.dot(z, wfc_ref[...], preferred_element_type=jnp.float32)
    o_ref[...] = jax.nn.sigmoid(o + bfc_ref[...])


BN = 2000


BS = 2048


@jax.jit
def _tc_scale(x, deg):
    return pl.pallas_call(
        _scale_body,
        grid=(NP // BS,),
        in_specs=[
            pl.BlockSpec((BS, DF), lambda i: (i, 0)),
            pl.BlockSpec((1, BS, 16), lambda i: (0, i, 0)),
        ],
        out_specs=pl.BlockSpec((BS, DF), lambda i: (i, 0)),
        out_shape=jax.ShapeDtypeStruct((NP, DF), jnp.float32),
    )(x, deg)


@jax.jit
def _tc_final(parts, deg, W1, b1, Wfc, bfc):
    return pl.pallas_call(
        _final_body,
        grid=(NN // BN,),
        in_specs=[
            pl.BlockSpec((NC, BN, DF), lambda i: (0, i, 0)),
            pl.BlockSpec((1, BN, 16), lambda i: (1, i, 0)),
            pl.BlockSpec((DF, HF), lambda i: (0, 0)),
            pl.BlockSpec((1, HF), lambda i: (0, 0)),
            pl.BlockSpec((HF, CF), lambda i: (0, 0)),
            pl.BlockSpec((1, CF), lambda i: (0, 0)),
        ],
        out_specs=pl.BlockSpec((BN, CF), lambda i: (i, 0)),
        out_shape=jax.ShapeDtypeStruct((NN, CF), jnp.float32),
    )(parts, deg, W1, b1, Wfc, bfc)


def kernel(edge_index, in_feat, W1, b1, Wfc, bfc):
    pad = jnp.broadcast_to(
        jnp.arange(PADM, dtype=jnp.int32) % (NP - NN) + NN, (2, PADM))
    ep = jnp.concatenate([edge_index, pad], axis=1)
    eh = ep.reshape(2, NS, KH3, CW)
    ems = ep[0].reshape(NC, NS, NG, GT, CM)
    emd = ep[1].reshape(NC, NS, NG, GT, CM)
    deg = _sc_hist(eh, jnp.zeros((NP,), jnp.float32))
    h = _tc_scale(in_feat, deg)
    parts = _sc_msg(ems, emd, h, jnp.zeros((NP, DF), jnp.float32))
    return _tc_final(parts, deg, W1, b1.reshape(1, HF), Wfc, bfc.reshape(1, CF))

# --- scband reference (transcript-rebuilt; emitter-appended) ---
"""Pipeline reference for scband-gcn-53266184405048 (READ-ONLY COPY).

The authoritative reference and input builder live on the scoring server;
editing this copy changes nothing except your own understanding.
"""

import jax, jax.numpy as jnp
import numpy as np

N = 10000
E = 320000
D = 128
H = 128
C = 16


def setup_inputs(seed: int = 0) -> dict:
    key = jax.random.key(seed)
    k1, k2, k3, k4 = jax.random.split(key, 4)
    in_feat = jax.random.normal(k1, (N, D), dtype=jnp.float32)
    edge_index = jax.random.randint(k2, (2, E), 0, N).astype(jnp.int32)
    W1 = jax.random.normal(k3, (D, H), dtype=jnp.float32) * (1.0 / np.sqrt(D))
    b1 = jnp.zeros((H,), dtype=jnp.float32)
    Wfc = jax.random.normal(k4, (H, C), dtype=jnp.float32) * (1.0 / np.sqrt(H))
    bfc = jnp.zeros((C,), dtype=jnp.float32)
    return {"edge_index": edge_index, "in_feat": in_feat, "W1": W1, "b1": b1, "Wfc": Wfc, "bfc": bfc}


def _inv_sqrt_deg(deg):
    # DGL norm='both': deg^{-1/2}, infinities (deg==0) -> 0
    return jnp.where(deg > 0, 1.0 / jnp.sqrt(jnp.maximum(deg, 1e-12)), 0.0)


def reference(edge_index, in_feat, W1, b1, Wfc, bfc):
    src = edge_index[0]
    dst = edge_index[1]
    ones_e = jnp.ones((E,), dtype=jnp.float32)
    deg_out = jax.ops.segment_sum(ones_e, src, num_segments=N)
    deg_in = jax.ops.segment_sum(ones_e, dst, num_segments=N)
    norm_out = _inv_sqrt_deg(deg_out)
    norm_in = _inv_sqrt_deg(deg_in)
    # GraphConv (norm='both'): h = D_in^{-1/2} A D_out^{-1/2} X W + b
    h = in_feat * norm_out[:, None]
    msg = jnp.take(h, src, axis=0)
    agg = jax.ops.segment_sum(msg, dst, num_segments=N)
    h = agg * norm_in[:, None]
    h = h @ W1 + b1
    h = jax.nn.relu(h)
    out = jax.nn.sigmoid(h @ Wfc + bfc)
    return out

if __name__ == "__main__":
    import jax
    _d = setup_inputs()
    print(jax.jit(kernel)(*tuple(_d.values())))

</pallas_src>

<mosaic_0001>
#map = affine_map<(d0, d1) -> (0, 0, 0, 0)>
#map1 = affine_map<(d0, d1) -> (0)>
#map2 = affine_map<(d0, d1) -> (0, 0, 0)>
module attributes {stable_mosaic.version = 14 : i64} {
  func.func @_hist_body(%arg0: i32, %arg1: i32, %arg2: memref<2x16x160x128xi32, #tpu.memory_space<hbm>>, %arg3: memref<10240xf32, #tpu.memory_space<hbm>>, %arg4: memref<2x10240x16xf32, #tpu.memory_space<hbm>>, %arg5: memref<160x128xi32, #tpu.memory_space<vmem>>, %arg6: memref<10240xf32, #tpu.memory_space<vmem>>, %arg7: memref<16x640xf32, #tpu.memory_space<vmem>>, %arg8: memref<640xf32, #tpu.memory_space<vmem>>, %arg9: memref<320x16xf32, #tpu.memory_space<vmem>>, %arg10: memref<16x10240xf32, #tpu.memory_space<vmem_shared>>) attributes {dimension_semantics = [#tpu.dimension_semantics<core_parallel>, #tpu.dimension_semantics<subcore_parallel>], iteration_bounds = array<i64: 2, 16>, scalar_prefetch = 0 : i64, scratch_operands = 6 : i64, tpu.core_type = #tpu.core_type<sc_vector_subcore>, window_params = [{transform_indices = #map}, {transform_indices = #map1}, {transform_indices = #map2}]} {
    "tpu.region"() ({
      %run_scoped3A = tpu.sem_alloc : memref<!tpu.dma_semaphore, #tpu.memory_space<semaphore_mem>>
      tpu.enqueue_dma source(%arg3 : memref<10240xf32, #tpu.memory_space<hbm>>) target(%arg6 : memref<10240xf32, #tpu.memory_space<vmem>>) target_semaphore(%run_scoped3A : memref<!tpu.dma_semaphore, #tpu.memory_space<semaphore_mem>>)
      tpu.wait_dma2 semaphore(%run_scoped3A : memref<!tpu.dma_semaphore, #tpu.memory_space<semaphore_mem>>) src(%arg3 : memref<10240xf32, #tpu.memory_space<hbm>>) dst(%arg6 : memref<10240xf32, #tpu.memory_space<vmem>>)
      tpu.yield
    }) : () -> ()
    "tpu.region"() ({
      %run_scoped3A = tpu.sem_alloc : memref<!tpu.dma_semaphore, #tpu.memory_space<semaphore_mem>>
      %dma_start3A = arith.constant 0 : i32
      %dma_start3A_16 = arith.constant 0 : i32
      %dma_start3A_17 = tpu.memref_slice %arg2[%arg0, %arg1, %dma_start3A, %dma_start3A_16] : memref<2x16x160x128xi32, #tpu.memory_space<hbm>> -> memref<1x1x160x128xi32, #tpu.memory_space<hbm>>
      %dma_start3A_18 = tpu.memref_squeeze %dma_start3A_17 : memref<1x1x160x128xi32, #tpu.memory_space<hbm>> -> memref<160x128xi32, #tpu.memory_space<hbm>>
      %dma_start3A_19 = arith.constant 0 : i32
      %dma_start3A_20 = arith.constant 0 : i32
      %dma_start3A_21 = tpu.memref_slice %arg2[%arg0, %arg1, %dma_start3A_19, %dma_start3A_20] : memref<2x16x160x128xi32, #tpu.memory_space<hbm>> -> memref<1x1x160x128xi32, #tpu.memory_space<hbm>>
      %dma_start3A_22 = tpu.memref_squeeze %dma_start3A_21 : memref<1x1x160x128xi32, #tpu.memory_space<hbm>> -> memref<160x128xi32, #tpu.memory_space<hbm>>
      tpu.enqueue_dma source(%dma_start3A_22 : memref<160x128xi32, #tpu.memory_space<hbm>>) target(%arg5 : memref<160x128xi32, #tpu.memory_space<vmem>>) target_semaphore(%run_scoped3A : memref<!tpu.dma_semaphore, #tpu.memory_space<semaphore_mem>>)
      %dma_wait3A = arith.constant 0 : i32
      %dma_wait3A_23 = arith.constant 0 : i32
      %dma_wait3A_24 = tpu.memref_slice %arg2[%arg0, %arg1, %dma_wait3A, %dma_wait3A_23] : memref<2x16x160x128xi32, #tpu.memory_space<hbm>> -> memref<1x1x160x128xi32, #tpu.memory_space<hbm>>
      %dma_wait3A_25 = tpu.memref_squeeze %dma_wait3A_24 : memref<1x1x160x128xi32, #tpu.memory_space<hbm>> -> memref<160x128xi32, #tpu.memory_space<hbm>>
      %dma_wait3A_26 = arith.constant 0 : i32
      %dma_wait3A_27 = arith.constant 0 : i32
      %dma_wait3A_28 = tpu.memref_slice %arg2[%arg0, %arg1, %dma_wait3A_26, %dma_wait3A_27] : memref<2x16x160x128xi32, #tpu.memory_space<hbm>> -> memref<1x1x160x128xi32, #tpu.memory_space<hbm>>
      %dma_wait3A_29 = tpu.memref_squeeze %dma_wait3A_28 : memref<1x1x160x128xi32, #tpu.memory_space<hbm>> -> memref<160x128xi32, #tpu.memory_space<hbm>>
      tpu.wait_dma2 semaphore(%run_scoped3A : memref<!tpu.dma_semaphore, #tpu.memory_space<semaphore_mem>>) src(%dma_wait3A_29 : memref<160x128xi32, #tpu.memory_space<hbm>>) dst(%arg5 : memref<160x128xi32, #tpu.memory_space<vmem>>)
      tpu.yield
    }) : () -> ()
    %broadcast_in_dim3A = arith.constant 1.000000e+00 : f32
    %broadcast_in_dim3A_0 = vector.broadcast %broadcast_in_dim3A : f32 to vector<16xf32>
    %scan3A = arith.constant 0 : i32
    %scan3A_1 = arith.constant 160 : i32
    %scan3A_2 = arith.addi %scan3A, %scan3A_1 : i32
    %scan3A_3 = arith.constant 1 : i32
    scf.for %scan3A_16 = %scan3A to %scan3A_2 step %scan3A_3  : i32 {
      %mul3A_17 = arith.constant 1 : i32
      %mul3A_18 = arith.muli %scan3A_16, %mul3A_17 : i32
      %add3A = arith.constant 0 : i32
      %add3A_19 = arith.addi %add3A, %mul3A_18 : i32
      %get3A = arith.index_cast %add3A_19 : i32 to index
      %get3A_20 = arith.constant 0 : index
      %get3A_21 = tpu.vector_load %arg5[%get3A, %get3A_20] {strides = array<i32>} : memref<160x128xi32, #tpu.memory_space<vmem>>, vector<16xi32>,
      tpu.vector_store_idx %arg6[%get3A_21], %broadcast_in_dim3A_0 {add = true} : memref<10240xf32, #tpu.memory_space<vmem>>[vector<16xi32>], vector<16xf32>,
      %get3A_22 = arith.index_cast %add3A_19 : i32 to index
      %get3A_23 = arith.constant 16 : index
      %get3A_24 = tpu.vector_load %arg5[%get3A_22, %get3A_23] {strides = array<i32>} : memref<160x128xi32, #tpu.memory_space<vmem>>, vector<16xi32>,
      tpu.vector_store_idx %arg6[%get3A_24], %broadcast_in_dim3A_0 {add = true} : memref<10240xf32, #tpu.memory_space<vmem>>[vector<16xi32>], vector<16xf32>,
      %get3A_25 = arith.index_cast %add3A_19 : i32 to index
      %get3A_26 = arith.constant 32 : index
      %get3A_27 = tpu.vector_load %arg5[%get3A_25, %get3A_26] {strides = array<i32>} : memref<160x128xi32, #tpu.memory_space<vmem>>, vector<16xi32>,
      tpu.vector_store_idx %arg6[%get3A_27], %broadcast_in_dim3A_0 {add = true} : memref<10240xf32, #tpu.memory_space<vmem>>[vector<16xi32>], vector<16xf32>,
      %get3A_28 = arith.index_cast %add3A_19 : i32 to index
      %get3A_29 = arith.constant 48 : index
      %get3A_30 = tpu.vector_load %arg5[%get3A_28, %get3A_29] {strides = array<i32>} : memref<160x128xi32, #tpu.memory_space<vmem>>, vector<16xi32>,
      tpu.vector_store_idx %arg6[%get3A_30], %broadcast_in_dim3A_0 {add = true} : memref<10240xf32, #tpu.memory_space<vmem>>[vector<16xi32>], vector<16xf32>,
      %get3A_31 = arith.index_cast %add3A_19 : i32 to index
      %get3A_32 = arith.constant 64 : index
      %get3A_33 = tpu.vector_load %arg5[%get3A_31, %get3A_32] {strides = array<i32>} : memref<160x128xi32, #tpu.memory_space<vmem>>, vector<16xi32>,
      tpu.vector_store_idx %arg6[%get3A_33], %broadcast_in_dim3A_0 {add = true} : memref<10240xf32, #tpu.memory_space<vmem>>[vector<16xi32>], vector<16xf32>,
      %get3A_34 = arith.index_cast %add3A_19 : i32 to index
      %get3A_35 = arith.constant 80 : index
      %get3A_36 = tpu.vector_load %arg5[%get3A_34, %get3A_35] {strides = array<i32>} : memref<160x128xi32, #tpu.memory_space<vmem>>, vector<16xi32>,
      tpu.vector_store_idx %arg6[%get3A_36], %broadcast_in_dim3A_0 {add = true} : memref<10240xf32, #tpu.memory_space<vmem>>[vector<16xi32>], vector<16xf32>,
      %get3A_37 = arith.index_cast %add3A_19 : i32 to index
      %get3A_38 = arith.constant 96 : index
      %get3A_39 = tpu.vector_load %arg5[%get3A_37, %get3A_38] {strides = array<i32>} : memref<160x128xi32, #tpu.memory_space<vmem>>, vector<16xi32>,
      tpu.vector_store_idx %arg6[%get3A_39], %broadcast_in_dim3A_0 {add = true} : memref<10240xf32, #tpu.memory_space<vmem>>[vector<16xi32>], vector<16xf32>,
      %get3A_40 = arith.index_cast %add3A_19 : i32 to index
      %get3A_41 = arith.constant 112 : index
      %get3A_42 = tpu.vector_load %arg5[%get3A_40, %get3A_41] {strides = array<i32>} : memref<160x128xi32, #tpu.memory_space<vmem>>, vector<16xi32>,
      tpu.vector_store_idx %arg6[%get3A_42], %broadcast_in_dim3A_0 {add = true} : memref<10240xf32, #tpu.memory_space<vmem>>[vector<16xi32>], vector<16xf32>,
    }
    %scan3A_4 = arith.constant 160 : i32
    "tpu.region"() ({
      %run_scoped3A = tpu.sem_alloc : memref<!tpu.dma_semaphore, #tpu.memory_space<semaphore_mem>>
      %dma_start3A = arith.constant 0 : i32
      %dma_start3A_16 = tpu.memref_slice %arg10[%arg1, %dma_start3A] : memref<16x10240xf32, #tpu.memory_space<vmem_shared>> -> memref<1x10240xf32, #tpu.memory_space<vmem_shared>>
      %dma_start3A_17 = tpu.memref_squeeze %dma_start3A_16 : memref<1x10240xf32, #tpu.memory_space<vmem_shared>> -> memref<10240xf32, #tpu.memory_space<vmem_shared>>
      %dma_start3A_18 = arith.constant 0 : i32
      %dma_start3A_19 = tpu.memref_slice %arg10[%arg1, %dma_start3A_18] : memref<16x10240xf32, #tpu.memory_space<vmem_shared>> -> memref<1x10240xf32, #tpu.memory_space<vmem_shared>>
      %dma_start3A_20 = tpu.memref_squeeze %dma_start3A_19 : memref<1x10240xf32, #tpu.memory_space<vmem_shared>> -> memref<10240xf32, #tpu.memory_space<vmem_shared>>
      tpu.enqueue_dma source(%arg6 : memref<10240xf32, #tpu.memory_space<vmem>>) target(%dma_start3A_20 : memref<10240xf32, #tpu.memory_space<vmem_shared>>) target_semaphore(%run_scoped3A : memref<!tpu.dma_semaphore, #tpu.memory_space<semaphore_mem>>)
      %dma_wait3A = arith.constant 0 : i32
      %dma_wait3A_21 = tpu.memref_slice %arg10[%arg1, %dma_wait3A] : memref<16x10240xf32, #tpu.memory_space<vmem_shared>> -> memref<1x10240xf32, #tpu.memory_space<vmem_shared>>
      %dma_wait3A_22 = tpu.memref_squeeze %dma_wait3A_21 : memref<1x10240xf32, #tpu.memory_space<vmem_shared>> -> memref<10240xf32, #tpu.memory_space<vmem_shared>>
      %dma_wait3A_23 = arith.constant 0 : i32
      %dma_wait3A_24 = tpu.memref_slice %arg10[%arg1, %dma_wait3A_23] : memref<16x10240xf32, #tpu.memory_space<vmem_shared>> -> memref<1x10240xf32, #tpu.memory_space<vmem_shared>>
      %dma_wait3A_25 = tpu.memref_squeeze %dma_wait3A_24 : memref<1x10240xf32, #tpu.memory_space<vmem_shared>> -> memref<10240xf32, #tpu.memory_space<vmem_shared>>
      tpu.wait_dma2 semaphore(%run_scoped3A : memref<!tpu.dma_semaphore, #tpu.memory_space<semaphore_mem>>) src(%arg6 : memref<10240xf32, #tpu.memory_space<vmem>>) dst(%dma_wait3A_25 : memref<10240xf32, #tpu.memory_space<vmem_shared>>)
      tpu.yield
    }) : () -> ()
    %barrier3A = arith.constant 0 : index
    tpu.barrier barrier_id(%barrier3A)
    %mul3A = arith.constant 640 : i32
    %mul3A_5 = arith.muli %arg1, %mul3A : i32
    "tpu.region"() ({
      %run_scoped3A = tpu.sem_alloc : memref<!tpu.dma_semaphore, #tpu.memory_space<semaphore_mem>>
      %dma_start3A = arith.constant 0 : i32
      %dma_start3A_16 = tpu.memref_slice %arg10[%dma_start3A, %mul3A_5] : memref<16x10240xf32, #tpu.memory_space<vmem_shared>> -> memref<16x640xf32, #tpu.memory_space<vmem_shared>>
      %dma_start3A_17 = arith.constant 0 : i32
      %dma_start3A_18 = tpu.memref_slice %arg10[%dma_start3A_17, %mul3A_5] : memref<16x10240xf32, #tpu.memory_space<vmem_shared>> -> memref<16x640xf32, #tpu.memory_space<vmem_shared>>
      tpu.enqueue_dma source(%dma_start3A_18 : memref<16x640xf32, #tpu.memory_space<vmem_shared>>) target(%arg7 : memref<16x640xf32, #tpu.memory_space<vmem>>) target_semaphore(%run_scoped3A : memref<!tpu.dma_semaphore, #tpu.memory_space<semaphore_mem>>)
      %dma_wait3A = arith.constant 0 : i32
      %dma_wait3A_19 = tpu.memref_slice %arg10[%dma_wait3A, %mul3A_5] : memref<16x10240xf32, #tpu.memory_space<vmem_shared>> -> memref<16x640xf32, #tpu.memory_space<vmem_shared>>
      %dma_wait3A_20 = arith.constant 0 : i32
      %dma_wait3A_21 = tpu.memref_slice %arg10[%dma_wait3A_20, %mul3A_5] : memref<16x10240xf32, #tpu.memory_space<vmem_shared>> -> memref<16x640xf32, #tpu.memory_space<vmem_shared>>
      tpu.wait_dma2 semaphore(%run_scoped3A : memref<!tpu.dma_semaphore, #tpu.memory_space<semaphore_mem>>) src(%dma_wait3A_21 : memref<16x640xf32, #tpu.memory_space<vmem_shared>>) dst(%arg7 : memref<16x640xf32, #tpu.memory_space<vmem>>)
      tpu.yield
    }) : () -> ()
    %scan3A_6 = arith.constant 0 : i32
    %scan3A_7 = arith.constant 40 : i32
    %scan3A_8 = arith.addi %scan3A_6, %scan3A_7 : i32
    %scan3A_9 = arith.constant 1 : i32
    scf.for %scan3A_16 = %scan3A_6 to %scan3A_8 step %scan3A_9  : i32 {
      %mul3A_17 = arith.constant 1 : i32
      %mul3A_18 = arith.muli %scan3A_16, %mul3A_17 : i32
      %add3A = arith.constant 0 : i32
      %add3A_19 = arith.addi %add3A, %mul3A_18 : i32
      %mul3A_20 = arith.constant 16 : i32
      %mul3A_21 = arith.muli %add3A_19, %mul3A_20 : i32
      %get3A = arith.constant 0 : i32
      %get3A_22 = arith.index_cast %get3A : i32 to index
      %get3A_23 = arith.index_cast %mul3A_21 : i32 to index
      %get3A_24 = tpu.vector_load %arg7[%get3A_22, %get3A_23] {strides = array<i32>} : memref<16x640xf32, #tpu.memory_space<vmem>>, vector<16xf32>,
      %get3A_25 = arith.constant 1 : i32
      %get3A_26 = arith.index_cast %get3A_25 : i32 to index
      %get3A_27 = arith.index_cast %mul3A_21 : i32 to index
      %get3A_28 = tpu.vector_load %arg7[%get3A_26, %get3A_27] {strides = array<i32>} : memref<16x640xf32, #tpu.memory_space<vmem>>, vector<16xf32>,
      %add3A_29 = arith.addf %get3A_24, %get3A_28 : vector<16xf32>
      %get3A_30 = arith.constant 2 : i32
      %get3A_31 = arith.index_cast %get3A_30 : i32 to index
      %get3A_32 = arith.index_cast %mul3A_21 : i32 to index
      %get3A_33 = tpu.vector_load %arg7[%get3A_31, %get3A_32] {strides = array<i32>} : memref<16x640xf32, #tpu.memory_space<vmem>>, vector<16xf32>,
      %add3A_34 = arith.addf %add3A_29, %get3A_33 : vector<16xf32>
      %get3A_35 = arith.constant 3 : i32
      %get3A_36 = arith.index_cast %get3A_35 : i32 to index
      %get3A_37 = arith.index_cast %mul3A_21 : i32 to index
      %get3A_38 = tpu.vector_load %arg7[%get3A_36, %get3A_37] {strides = array<i32>} : memref<16x640xf32, #tpu.memory_space<vmem>>, vector<16xf32>,
      %add3A_39 = arith.addf %add3A_34, %get3A_38 : vector<16xf32>
      %get3A_40 = arith.constant 4 : i32
      %get3A_41 = arith.index_cast %get3A_40 : i32 to index
      %get3A_42 = arith.index_cast %mul3A_21 : i32 to index
      %get3A_43 = tpu.vector_load %arg7[%get3A_41, %get3A_42] {strides = array<i32>} : memref<16x640xf32, #tpu.memory_space<vmem>>, vector<16xf32>,
      %add3A_44 = arith.addf %add3A_39, %get3A_43 : vector<16xf32>
      %get3A_45 = arith.constant 5 : i32
      %get3A_46 = arith.index_cast %get3A_45 : i32 to index
      %get3A_47 = arith.index_cast %mul3A_21 : i32 to index
      %get3A_48 = tpu.vector_load %arg7[%get3A_46, %get3A_47] {strides = array<i32>} : memref<16x640xf32, #tpu.memory_space<vmem>>, vector<16xf32>,
      %add3A_49 = arith.addf %add3A_44, %get3A_48 : vector<16xf32>
      %get3A_50 = arith.constant 6 : i32
      %get3A_51 = arith.index_cast %get3A_50 : i32 to index
      %get3A_52 = arith.index_cast %mul3A_21 : i32 to index
      %get3A_53 = tpu.vector_load %arg7[%get3A_51, %get3A_52] {strides = array<i32>} : memref<16x640xf32, #tpu.memory_space<vmem>>, vector<16xf32>,
      %add3A_54 = arith.addf %add3A_49, %get3A_53 : vector<16xf32>
      %get3A_55 = arith.constant 7 : i32
      %get3A_56 = arith.index_cast %get3A_55 : i32 to index
      %get3A_57 = arith.index_cast %mul3A_21 : i32 to index
      %get3A_58 = tpu.vector_load %arg7[%get3A_56, %get3A_57] {strides = array<i32>} : memref<16x640xf32, #tpu.memory_space<vmem>>, vector<16xf32>,
      %add3A_59 = arith.addf %add3A_54, %get3A_58 : vector<16xf32>
      %get3A_60 = arith.constant 8 : i32
      %get3A_61 = arith.index_cast %get3A_60 : i32 to index
      %get3A_62 = arith.index_cast %mul3A_21 : i32 to index
      %get3A_63 = tpu.vector_load %arg7[%get3A_61, %get3A_62] {strides = array<i32>} : memref<16x640xf32, #tpu.memory_space<vmem>>, vector<16xf32>,
      %add3A_64 = arith.addf %add3A_59, %get3A_63 : vector<16xf32>
      %get3A_65 = arith.constant 9 : i32
      %get3A_66 = arith.index_cast %get3A_65 : i32 to index
      %get3A_67 = arith.index_cast %mul3A_21 : i32 to index
      %get3A_68 = tpu.vector_load %arg7[%get3A_66, %get3A_67] {strides = array<i32>} : memref<16x640xf32, #tpu.memory_space<vmem>>, vector<16xf32>,
      %add3A_69 = arith.addf %add3A_64, %get3A_68 : vector<16xf32>
      %get3A_70 = arith.constant 10 : i32
      %get3A_71 = arith.index_cast %get3A_70 : i32 to index
      %get3A_72 = arith.index_cast %mul3A_21 : i32 to index
      %get3A_73 = tpu.vector_load %arg7[%get3A_71, %get3A_72] {strides = array<i32>} : memref<16x640xf32, #tpu.memory_space<vmem>>, vector<16xf32>,
      %add3A_74 = arith.addf %add3A_69, %get3A_73 : vector<16xf32>
      %get3A_75 = arith.constant 11 : i32
      %get3A_76 = arith.index_cast %get3A_75 : i32 to index
      %get3A_77 = arith.index_cast %mul3A_21 : i32 to index
      %get3A_78 = tpu.vector_load %arg7[%get3A_76, %get3A_77] {strides = array<i32>} : memref<16x640xf32, #tpu.memory_space<vmem>>, vector<16xf32>,
      %add3A_79 = arith.addf %add3A_74, %get3A_78 : vector<16xf32>
      %get3A_80 = arith.constant 12 : i32
      %get3A_81 = arith.index_cast %get3A_80 : i32 to index
      %get3A_82 = arith.index_cast %mul3A_21 : i32 to index
      %get3A_83 = tpu.vector_load %arg7[%get3A_81, %get3A_82] {strides = array<i32>} : memref<16x640xf32, #tpu.memory_space<vmem>>, vector<16xf32>,
      %add3A_84 = arith.addf %add3A_79, %get3A_83 : vector<16xf32>
      %get3A_85 = arith.constant 13 : i32
      %get3A_86 = arith.index_cast %get3A_85 : i32 to index
      %get3A_87 = arith.index_cast %mul3A_21 : i32 to index
      %get3A_88 = tpu.vector_load %arg7[%get3A_86, %get3A_87] {strides = array<i32>} : memref<16x640xf32, #tpu.memory_space<vmem>>, vector<16xf32>,
      %add3A_89 = arith.addf %add3A_84, %get3A_88 : vector<16xf32>
      %get3A_90 = arith.constant 14 : i32
      %get3A_91 = arith.index_cast %get3A_90 : i32 to index
      %get3A_92 = arith.index_cast %mul3A_21 : i32 to index
      %get3A_93 = tpu.vector_load %arg7[%get3A_91, %get3A_92] {strides = array<i32>} : memref<16x640xf32, #tpu.memory_space<vmem>>, vector<16xf32>,
      %add3A_94 = arith.addf %add3A_89, %get3A_93 : vector<16xf32>
      %get3A_95 = arith.constant 15 : i32
      %get3A_96 = arith.index_cast %get3A_95 : i32 to index
      %get3A_97 = arith.index_cast %mul3A_21 : i32 to index
      %get3A_98 = tpu.vector_load %arg7[%get3A_96, %get3A_97] {strides = array<i32>} : memref<16x640xf32, #tpu.memory_space<vmem>>, vector<16xf32>,
      %add3A_99 = arith.addf %add3A_94, %get3A_98 : vector<16xf32>
      %swap3A = arith.index_cast %mul3A_21 : i32 to index
      %swap3A_100 = tpu.vector_load %arg8[%swap3A] {strides = array<i32>} : memref<640xf32, #tpu.memory_space<vmem>>, vector<16xf32>,
      tpu.vector_store %arg8[%swap3A], %add3A_99 {strides = array<i32>} : memref<640xf32, #tpu.memory_space<vmem>>, vector<16xf32>,
    }
    %scan3A_10 = arith.constant 40 : i32
    %iota3A = tpu.iota {dimensions = array<i32: 0>} : vector<16xi32>
    %scan3A_11 = arith.constant 0 : i32
    %scan3A_12 = arith.constant 2 : i32
    %scan3A_13 = arith.addi %scan3A_11, %scan3A_12 : i32
    %scan3A_14 = arith.constant 1 : i32
    scf.for %scan3A_16 = %scan3A_11 to %scan3A_13 step %scan3A_14  : i32 {
      %mul3A_17 = arith.constant 1 : i32
      %mul3A_18 = arith.muli %scan3A_16, %mul3A_17 : i32
      %add3A = arith.constant 0 : i32
      %add3A_19 = arith.addi %add3A, %mul3A_18 : i32
      %scan3A_20 = arith.constant 0 : i32
      %scan3A_21 = arith.constant 20 : i32
      %scan3A_22 = arith.addi %scan3A_20, %scan3A_21 : i32
      %scan3A_23 = arith.constant 1 : i32
      scf.for %scan3A_30 = %scan3A_20 to %scan3A_22 step %scan3A_23  : i32 {
        %mul3A_31 = arith.constant 1 : i32
        %mul3A_32 = arith.muli %scan3A_30, %mul3A_31 : i32
        %add3A_33 = arith.constant 0 : i32
        %add3A_34 = arith.addi %add3A_33, %mul3A_32 : i32
        %mul3A_35 = arith.constant 320 : i32
        %mul3A_36 = arith.muli %add3A_19, %mul3A_35 : i32
        %mul3A_37 = arith.constant 16 : i32
        %mul3A_38 = arith.muli %add3A_34, %mul3A_37 : i32
        %add3A_39 = arith.addi %mul3A_36, %mul3A_38 : i32
        %get3A = arith.index_cast %add3A_39 : i32 to index
        %get3A_40 = tpu.vector_load %arg8[%get3A] {strides = array<i32>} : memref<640xf32, #tpu.memory_space<vmem>>, vector<16xf32>,
        %mul3A_41 = arith.constant 16 : i32
        %mul3A_42 = arith.muli %add3A_34, %mul3A_41 : i32
        %add3A_43 = vector.broadcast %mul3A_42 : i32 to vector<16xi32>
        %add3A_44 = arith.addi %iota3A, %add3A_43 : vector<16xi32>
        %broadcast_in_dim3A_45 = arith.constant 0 : i32
        %broadcast_in_dim3A_46 = vector.broadcast %broadcast_in_dim3A_45 : i32 to vector<16xi32>
        tpu.vector_store_idx %arg9[%add3A_44, %broadcast_in_dim3A_46], %get3A_40 : memref<320x16xf32, #tpu.memory_space<vmem>>[vector<16xi32>, vector<16xi32>], vector<16xf32>,
        %mul3A_47 = arith.constant 16 : i32
        %mul3A_48 = arith.muli %add3A_34, %mul3A_47 : i32
        %add3A_49 = vector.broadcast %mul3A_48 : i32 to vector<16xi32>
        %add3A_50 = arith.addi %iota3A, %add3A_49 : vector<16xi32>
        %broadcast_in_dim3A_51 = arith.constant 1 : i32
        %broadcast_in_dim3A_52 = vector.broadcast %broadcast_in_dim3A_51 : i32 to vector<16xi32>
        tpu.vector_store_idx %arg9[%add3A_50, %broadcast_in_dim3A_52], %get3A_40 : memref<320x16xf32, #tpu.memory_space<vmem>>[vector<16xi32>, vector<16xi32>], vector<16xf32>,
        %mul3A_53 = arith.constant 16 : i32
        %mul3A_54 = arith.muli %add3A_34, %mul3A_53 : i32
        %add3A_55 = vector.broadcast %mul3A_54 : i32 to vector<16xi32>
        %add3A_56 = arith.addi %iota3A, %add3A_55 : vector<16xi32>
        %broadcast_in_dim3A_57 = arith.constant 2 : i32
        %broadcast_in_dim3A_58 = vector.broadcast %broadcast_in_dim3A_57 : i32 to vector<16xi32>
        tpu.vector_store_idx %arg9[%add3A_56, %broadcast_in_dim3A_58], %get3A_40 : memref<320x16xf32, #tpu.memory_space<vmem>>[vector<16xi32>, vector<16xi32>], vector<16xf32>,
        %mul3A_59 = arith.constant 16 : i32
        %mul3A_60 = arith.muli %add3A_34, %mul3A_59 : i32
        %add3A_61 = vector.broadcast %mul3A_60 : i32 to vector<16xi32>
        %add3A_62 = arith.addi %iota3A, %add3A_61 : vector<16xi32>
        %broadcast_in_dim3A_63 = arith.constant 3 : i32
        %broadcast_in_dim3A_64 = vector.broadcast %broadcast_in_dim3A_63 : i32 to vector<16xi32>
        tpu.vector_store_idx %arg9[%add3A_62, %broadcast_in_dim3A_64], %get3A_40 : memref<320x16xf32, #tpu.memory_space<vmem>>[vector<16xi32>, vector<16xi32>], vector<16xf32>,
        %mul3A_65 = arith.constant 16 : i32
        %mul3A_66 = arith.muli %add3A_34, %mul3A_65 : i32
        %add3A_67 = vector.broadcast %mul3A_66 : i32 to vector<16xi32>
        %add3A_68 = arith.addi %iota3A, %add3A_67 : vector<16xi32>
        %broadcast_in_dim3A_69 = arith.constant 4 : i32
        %broadcast_in_dim3A_70 = vector.broadcast %broadcast_in_dim3A_69 : i32 to vector<16xi32>
        tpu.vector_store_idx %arg9[%add3A_68, %broadcast_in_dim3A_70], %get3A_40 : memref<320x16xf32, #tpu.memory_space<vmem>>[vector<16xi32>, vector<16xi32>], vector<16xf32>,
        %mul3A_71 = arith.constant 16 : i32
        %mul3A_72 = arith.muli %add3A_34, %mul3A_71 : i32
        %add3A_73 = vector.broadcast %mul3A_72 : i32 to vector<16xi32>
        %add3A_74 = arith.addi %iota3A, %add3A_73 : vector<16xi32>
        %broadcast_in_dim3A_75 = arith.constant 5 : i32
        %broadcast_in_dim3A_76 = vector.broadcast %broadcast_in_dim3A_75 : i32 to vector<16xi32>
        tpu.vector_store_idx %arg9[%add3A_74, %broadcast_in_dim3A_76], %get3A_40 : memref<320x16xf32, #tpu.memory_space<vmem>>[vector<16xi32>, vector<16xi32>], vector<16xf32>,
        %mul3A_77 = arith.constant 16 : i32
        %mul3A_78 = arith.muli %add3A_34, %mul3A_77 : i32
        %add3A_79 = vector.broadcast %mul3A_78 : i32 to vector<16xi32>
        %add3A_80 = arith.addi %iota3A, %add3A_79 : vector<16xi32>
        %broadcast_in_dim3A_81 = arith.constant 6 : i32
        %broadcast_in_dim3A_82 = vector.broadcast %broadcast_in_dim3A_81 : i32 to vector<16xi32>
        tpu.vector_store_idx %arg9[%add3A_80, %broadcast_in_dim3A_82], %get3A_40 : memref<320x16xf32, #tpu.memory_space<vmem>>[vector<16xi32>, vector<16xi32>], vector<16xf32>,
        %mul3A_83 = arith.constant 16 : i32
        %mul3A_84 = arith.muli %add3A_34, %mul3A_83 : i32
        %add3A_85 = vector.broadcast %mul3A_84 : i32 to vector<16xi32>
        %add3A_86 = arith.addi %iota3A, %add3A_85 : vector<16xi32>
        %broadcast_in_dim3A_87 = arith.constant 7 : i32
        %broadcast_in_dim3A_88 = vector.broadcast %broadcast_in_dim3A_87 : i32 to vector<16xi32>
        tpu.vector_store_idx %arg9[%add3A_86, %broadcast_in_dim3A_88], %get3A_40 : memref<320x16xf32, #tpu.memory_space<vmem>>[vector<16xi32>, vector<16xi32>], vector<16xf32>,
        %mul3A_89 = arith.constant 16 : i32
        %mul3A_90 = arith.muli %add3A_34, %mul3A_89 : i32
        %add3A_91 = vector.broadcast %mul3A_90 : i32 to vector<16xi32>
        %add3A_92 = arith.addi %iota3A, %add3A_91 : vector<16xi32>
        %broadcast_in_dim3A_93 = arith.constant 8 : i32
        %broadcast_in_dim3A_94 = vector.broadcast %broadcast_in_dim3A_93 : i32 to vector<16xi32>
        tpu.vector_store_idx %arg9[%add3A_92, %broadcast_in_dim3A_94], %get3A_40 : memref<320x16xf32, #tpu.memory_space<vmem>>[vector<16xi32>, vector<16xi32>], vector<16xf32>,
        %mul3A_95 = arith.constant 16 : i32
        %mul3A_96 = arith.muli %add3A_34, %mul3A_95 : i32
        %add3A_97 = vector.broadcast %mul3A_96 : i32 to vector<16xi32>
        %add3A_98 = arith.addi %iota3A, %add3A_97 : vector<16xi32>
        %broadcast_in_dim3A_99 = arith.constant 9 : i32
        %broadcast_in_dim3A_100 = vector.broadcast %broadcast_in_dim3A_99 : i32 to vector<16xi32>
        tpu.vector_store_idx %arg9[%add3A_98, %broadcast_in_dim3A_100], %get3A_40 : memref<320x16xf32, #tpu.memory_space<vmem>>[vector<16xi32>, vector<16xi32>], vector<16xf32>,
        %mul3A_101 = arith.constant 16 : i32
        %mul3A_102 = arith.muli %add3A_34, %mul3A_101 : i32
        %add3A_103 = vector.broadcast %mul3A_102 : i32 to vector<16xi32>
        %add3A_104 = arith.addi %iota3A, %add3A_103 : vector<16xi32>
        %broadcast_in_dim3A_105 = arith.constant 10 : i32
        %broadcast_in_dim3A_106 = vector.broadcast %broadcast_in_dim3A_105 : i32 to vector<16xi32>
        tpu.vector_store_idx %arg9[%add3A_104, %broadcast_in_dim3A_106], %get3A_40 : memref<320x16xf32, #tpu.memory_space<vmem>>[vector<16xi32>, vector<16xi32>], vector<16xf32>,
        %mul3A_107 = arith.constant 16 : i32
        %mul3A_108 = arith.muli %add3A_34, %mul3A_107 : i32
        %add3A_109 = vector.broadcast %mul3A_108 : i32 to vector<16xi32>
        %add3A_110 = arith.addi %iota3A, %add3A_109 : vector<16xi32>
        %broadcast_in_dim3A_111 = arith.constant 11 : i32
        %broadcast_in_dim3A_112 = vector.broadcast %broadcast_in_dim3A_111 : i32 to vector<16xi32>
        tpu.vector_store_idx %arg9[%add3A_110, %broadcast_in_dim3A_112], %get3A_40 : memref<320x16xf32, #tpu.memory_space<vmem>>[vector<16xi32>, vector<16xi32>], vector<16xf32>,
        %mul3A_113 = arith.constant 16 : i32
        %mul3A_114 = arith.muli %add3A_34, %mul3A_113 : i32
        %add3A_115 = vector.broadcast %mul3A_114 : i32 to vector<16xi32>
        %add3A_116 = arith.addi %iota3A, %add3A_115 : vector<16xi32>
        %broadcast_in_dim3A_117 = arith.constant 12 : i32
        %broadcast_in_dim3A_118 = vector.broadcast %broadcast_in_dim3A_117 : i32 to vector<16xi32>
        tpu.vector_store_idx %arg9[%add3A_116, %broadcast_in_dim3A_118], %get3A_40 : memref<320x16xf32, #tpu.memory_space<vmem>>[vector<16xi32>, vector<16xi32>], vector<16xf32>,
        %mul3A_119 = arith.constant 16 : i32
        %mul3A_120 = arith.muli %add3A_34, %mul3A_119 : i32
        %add3A_121 = vector.broadcast %mul3A_120 : i32 to vector<16xi32>
        %add3A_122 = arith.addi %iota3A, %add3A_121 : vector<16xi32>
        %broadcast_in_dim3A_123 = arith.constant 13 : i32
        %broadcast_in_dim3A_124 = vector.broadcast %broadcast_in_dim3A_123 : i32 to vector<16xi32>
        tpu.vector_store_idx %arg9[%add3A_122, %broadcast_in_dim3A_124], %get3A_40 : memref<320x16xf32, #tpu.memory_space<vmem>>[vector<16xi32>, vector<16xi32>], vector<16xf32>,
        %mul3A_125 = arith.constant 16 : i32
        %mul3A_126 = arith.muli %add3A_34, %mul3A_125 : i32
        %add3A_127 = vector.broadcast %mul3A_126 : i32 to vector<16xi32>
        %add3A_128 = arith.addi %iota3A, %add3A_127 : vector<16xi32>
        %broadcast_in_dim3A_129 = arith.constant 14 : i32
        %broadcast_in_dim3A_130 = vector.broadcast %broadcast_in_dim3A_129 : i32 to vector<16xi32>
        tpu.vector_store_idx %arg9[%add3A_128, %broadcast_in_dim3A_130], %get3A_40 : memref<320x16xf32, #tpu.memory_space<vmem>>[vector<16xi32>, vector<16xi32>], vector<16xf32>,
        %mul3A_131 = arith.constant 16 : i32
        %mul3A_132 = arith.muli %add3A_34, %mul3A_131 : i32
        %add3A_133 = vector.broadcast %mul3A_132 : i32 to vector<16xi32>
        %add3A_134 = arith.addi %iota3A, %add3A_133 : vector<16xi32>
        %broadcast_in_dim3A_135 = arith.constant 15 : i32
        %broadcast_in_dim3A_136 = vector.broadcast %broadcast_in_dim3A_135 : i32 to vector<16xi32>
        tpu.vector_store_idx %arg9[%add3A_134, %broadcast_in_dim3A_136], %get3A_40 : memref<320x16xf32, #tpu.memory_space<vmem>>[vector<16xi32>, vector<16xi32>], vector<16xf32>,
      }
      %scan3A_24 = arith.constant 20 : i32
      %mul3A_25 = arith.constant 640 : i32
      %mul3A_26 = arith.muli %arg1, %mul3A_25 : i32
      %mul3A_27 = arith.constant 320 : i32
      %mul3A_28 = arith.muli %add3A_19, %mul3A_27 : i32
      %add3A_29 = arith.addi %mul3A_26, %mul3A_28 : i32
      "tpu.region"() ({
        %run_scoped3A = tpu.sem_alloc : memref<!tpu.dma_semaphore, #tpu.memory_space<semaphore_mem>>
        %dma_start3A = arith.constant 0 : i32
        %dma_start3A_30 = tpu.memref_slice %arg4[%arg0, %add3A_29, %dma_start3A] : memref<2x10240x16xf32, #tpu.memory_space<hbm>> -> memref<1x320x16xf32, #tpu.memory_space<hbm>>
        %dma_start3A_31 = tpu.memref_squeeze %dma_start3A_30 : memref<1x320x16xf32, #tpu.memory_space<hbm>> -> memref<320x16xf32, #tpu.memory_space<hbm>>
        %dma_start3A_32 = arith.constant 0 : i32
        %dma_start3A_33 = tpu.memref_slice %arg4[%arg0, %add3A_29, %dma_start3A_32] : memref<2x10240x16xf32, #tpu.memory_space<hbm>> -> memref<1x320x16xf32, #tpu.memory_space<hbm>>
        %dma_start3A_34 = tpu.memref_squeeze %dma_start3A_33 : memref<1x320x16xf32, #tpu.memory_space<hbm>> -> memref<320x16xf32, #tpu.memory_space<hbm>>
        tpu.enqueue_dma source(%arg9 : memref<320x16xf32, #tpu.memory_space<vmem>>) target(%dma_start3A_34 : memref<320x16xf32, #tpu.memory_space<hbm>>) target_semaphore(%run_scoped3A : memref<!tpu.dma_semaphore, #tpu.memory_space<semaphore_mem>>)
        %dma_wait3A = arith.constant 0 : i32
        %dma_wait3A_35 = tpu.memref_slice %arg4[%arg0, %add3A_29, %dma_wait3A] : memref<2x10240x16xf32, #tpu.memory_space<hbm>> -> memref<1x320x16xf32, #tpu.memory_space<hbm>>
        %dma_wait3A_36 = tpu.memref_squeeze %dma_wait3A_35 : memref<1x320x16xf32, #tpu.memory_space<hbm>> -> memref<320x16xf32, #tpu.memory_space<hbm>>
        %dma_wait3A_37 = arith.constant 0 : i32
        %dma_wait3A_38 = tpu.memref_slice %arg4[%arg0, %add3A_29, %dma_wait3A_37] : memref<2x10240x16xf32, #tpu.memory_space<hbm>> -> memref<1x320x16xf32, #tpu.memory_space<hbm>>
        %dma_wait3A_39 = tpu.memref_squeeze %dma_wait3A_38 : memref<1x320x16xf32, #tpu.memory_space<hbm>> -> memref<320x16xf32, #tpu.memory_space<hbm>>
        tpu.wait_dma2 semaphore(%run_scoped3A : memref<!tpu.dma_semaphore, #tpu.memory_space<semaphore_mem>>) src(%arg9 : memref<320x16xf32, #tpu.memory_space<vmem>>) dst(%dma_wait3A_39 : memref<320x16xf32, #tpu.memory_space<hbm>>)
        tpu.yield
      }) : () -> ()
    }
    %scan3A_15 = arith.constant 2 : i32
    return
  }
}

</mosaic_0001>

<sc_bundles>
// kernel: _sc_hist.3.cloned.1.call-start
scs
__scs_entry_jumppad:
0x0: {  	(pc) =	sbr.rel $0x88, $3  }
0x1: {  	(tag) =	ssettag $0x0;
	lr =	simm.s32 $0x1  }
0x2: {  	[smem:$0x3F9F] =	sst lr;
	_ =	strace $0xD0000000  }
0x3: {  	_ = 	snop  }
0x4: {  	_ = 	snop  }
0x5: {  	_ = 	snop  }
0x6: {  	_ = 	snop  }
0x7: {  	_ = 	snop  }
__scs_overlays_trampoline_lowered:
0x8: {  	[smem:$0x3FAE] =	sst s0  }
0x9: {  	[smem:$0x3FAF] =	sst s1  }
0xa: {  	[smem:$0x3FB0] =	sst s2  }
0xb: {  	[smem:$0x3FB1] =	sst s3  }
0xc: {  	[smem:$0x3FB2] =	sst s4  }
0xd: {  	[smem:$0x3FB3] =	sst s5  }
0xe: {  	[smem:$0x3FB4] =	sst s6  }
0xf: {  	[smem:$0x3FB5] =	sst s7  }
0x10: {  	[smem:$0x3FB6] =	sst s8  }
0x11: {  	[smem:$0x3FB7] =	sst s9;
	s0 =	simm.s32 @!p0 $0x0  }
0x12: {  	s1 =	sld [smem:$0x3F9D];
	s0 =	simm.s32 @p0 $0x1  }
0x13: {  	[smem:$0x3FB8] =	sst s0;
	s0 =	simm.s32 @!p1 $0x0  }
0x14: {  	s2 =	sld [smem:$0x3F9C];
	s0 =	simm.s32 @p1 $0x1  }
0x15: {  	[smem:$0x3FB9] =	sst s0;
	s0 =	simm.s32 @!p2 $0x0  }
0x16: {  	s3 =	sld [smem:$0x3FDB];
	s0 =	simm.s32 @p2 $0x1  }
0x17: {  	s4 =	simm.s32 $0x1BF5;
	[smem:$0x3FBB] =	sst s0  }
0x18: {  	s0 =	sld [smem:$0x3F9E];
	_ =	swait.ge [sflag:s4], $0x0  }
0x19: {  	s7 =	sld [smem:$0x3F9F]  }
0x1a: {  	s8 =	sadd.s32 $0xFFFFE003, lr  }
0x1b: {  	s9 =	sadd.s32 $0xFFFFFEF7, lr;
	s5 =	simm.s32 $0xFFFFFFFF;
	p2 =	slt.u32 s8, $0xFFFFF086  }
0x1c: {  	p1 =	slt.u32 s9, $0xF7A;
	s5 =	simm.s32 @!p2 $0x0  }
0x1d: {  	s5 =	simm.s32 @p1 $0x1;
	p0 =	seq.s32 s7, s2  }
0x1e: {  	s7 =	smul.u32 @!p0 $0xF7A, s2;
	p2 =	seq.s32 @!p0 s5, $0x0  }
0x1f: {  	s9 =	smul.u32 $0xF7A, s1;
	s8 =	simm.s32 @!p0 $0x1BF5;
	p2 =	por !p2, p0  }
0x20: {  	[sflag:s8] =	ssyncset.s32 @!p0 $0xFFFFF086;
	s6 =	sadd.s32 @!p0 s3, s7;
	s7 =	simm.s32 @!p0 $0x108  }
0x21: {  	s3 =	sadd.s32 s3, s9;
	s6 =	sadd.s32 @!p0 $0x88, s6;
	s7 =	simm.s32 @p2 $0x1082  }
0x22: {  	[simem:s7], [sflag:s8] =	dma.local @!p0 [hbm:s6], $0xF7A  }
0x23: {  	s9 =	sor.u32 $0xD0000000, s2;
	s6 =	simm.s32 $0x108;
	_ =	swait.ge @!p0 [sflag:s8], $0x0  }
0x24: {  	s3 =	sadd.s32 $0x88, s3;
	s6 =	simm.s32 @!p1 $0x1082;
	[sflag:s4] =	ssyncset.s32 $0xFFFFF086  }
0x25: {  	[simem:s6], [sflag:s4] =	dma.local [hbm:s3], $0xF7A  }
0x26: {  	[smem:$0x3F9F] =	sst s1;
	(tag) =	ssettag s2;
	_ =	strace s9  }
0x27: {  	s1 =	sld [smem:$0x3FAF]  }
0x28: {  	s2 =	sld [smem:$0x3FB0]  }
0x29: {  	s4 =	sld [smem:$0x3FB2]  }
0x2a: {  	p0 =	seq.s32 s5, $0x0;
	s5 =	sld [smem:$0x3FB3]  }
0x2b: {  	s6 =	sld [smem:$0x3FB4]  }
0x2c: {  	s7 =	sld [smem:$0x3FB5]  }
0x2d: {  	s3 =	simm.s32 $0x108;
	s8 =	sld [smem:$0x3FB6]  }
0x2e: {  	s3 =	simm.s32 @!p0 $0x1082;
	s9 =	sld [smem:$0x3FB7]  }
0x2f: {  	lr =	sadd.s32 s0, s3;
	s0 =	sld [smem:$0x3FAE]  }
0x30: {  	s3 =	sld [smem:$0x3FB1]  }
0x31: {  	[smem:$0x3FBA] =	sst s10  }
0x32: {  	s10 =	sld [smem:$0x3FB8];
	_ =	sdelay $0x3  }
0x33: {  	p0 =	seq.s32 s10, $0x1;
	s10 =	sld [smem:$0x3FBA];
	_ =	sdelay $0x3  }
0x34: {  	[smem:$0x3FBA] =	sst s10  }
0x35: {  	s10 =	sld [smem:$0x3FB9];
	_ =	sdelay $0x3  }
0x36: {  	p1 =	seq.s32 s10, $0x1;
	s10 =	sld [smem:$0x3FBA];
	_ =	sdelay $0x3  }
0x37: {  	[smem:$0x3FBA] =	sst s10  }
0x38: {  	s10 =	sld [smem:$0x3FBB]  }
0x39: {  	_ = 	snop;
	(pc) =	sbr.ind lr, $3  }
0x3a: {  	_ = 	snop  }
0x3b: {  	_ = 	snop  }
0x3c: {  	p2 =	seq.s32 s10, $0x1;
	s10 =	sld [smem:$0x3FBA]  }
0x3d: {  	_ =	shalt  }
0x3e: {  	_ =	shalt  }
0x3f: {  	_ =	shalt  }
0x40: {  	_ =	shalt  }
0x41: {  	_ =	shalt  }
0x42: {  	_ =	shalt  }
0x43: {  	_ =	shalt  }
0x44: {  	_ =	shalt  }
0x45: {  	_ =	shalt  }
0x46: {  	_ =	shalt  }
0x47: {  	_ =	shalt  }
0x48: {  	_ =	shalt  }
0x49: {  	_ =	shalt  }
0x4a: {  	_ =	shalt  }
0x4b: {  	_ =	shalt  }
0x4c: {  	_ =	shalt  }
0x4d: {  	_ =	shalt  }
0x4e: {  	_ =	shalt  }
0x4f: {  	_ =	shalt  }
0x50: {  	_ =	shalt  }
0x51: {  	_ =	shalt  }
0x52: {  	_ =	shalt  }
0x53: {  	_ =	shalt  }
0x54: {  	_ =	shalt  }
0x55: {  	_ =	shalt  }
0x56: {  	_ =	shalt  }
0x57: {  	_ =	shalt  }
0x58: {  	_ =	shalt  }
0x59: {  	_ =	shalt  }
0x5a: {  	_ =	shalt  }
0x5b: {  	_ =	shalt  }
0x5c: {  	_ =	shalt  }
0x5d: {  	_ =	shalt  }
0x5e: {  	_ =	shalt  }
0x5f: {  	_ =	shalt  }
0x60: {  	_ =	shalt  }
0x61: {  	_ =	shalt  }
0x62: {  	_ =	shalt  }
0x63: {  	_ =	shalt  }
0x64: {  	_ =	shalt  }
0x65: {  	_ =	shalt  }
0x66: {  	_ =	shalt  }
0x67: {  	_ =	shalt  }
0x68: {  	_ =	shalt  }
0x69: {  	_ =	shalt  }
0x6a: {  	_ =	shalt  }
0x6b: {  	_ =	shalt  }
0x6c: {  	_ =	shalt  }
0x6d: {  	_ =	shalt  }
0x6e: {  	_ =	shalt  }
0x6f: {  	_ =	shalt  }
0x70: {  	_ =	shalt  }
0x71: {  	_ =	shalt  }
0x72: {  	_ =	shalt  }
0x73: {  	_ =	shalt  }
0x74: {  	_ =	shalt  }
0x75: {  	_ =	shalt  }
0x76: {  	_ =	shalt  }
0x77: {  	_ =	shalt  }
0x78: {  	_ =	shalt  }
0x79: {  	_ =	shalt  }
0x7a: {  	_ =	shalt  }
0x7b: {  	_ =	shalt  }
0x7c: {  	_ =	shalt  }
0x7d: {  	_ =	shalt  }
0x7e: {  	_ =	shalt  }
0x7f: {  	_ =	shalt  }
0x80: {  	_ =	shalt  }
0x81: {  	_ =	shalt  }
0x82: {  	_ =	shalt  }
0x83: {  	_ =	shalt  }
0x84: {  	_ =	shalt  }
0x85: {  	_ =	shalt  }
0x86: {  	_ =	shalt  }
0x87: {  	_ =	shalt  }
.Lfunc_end0:
.L_simem_size_0:
called_computation_lowered:
.L_overlay_start_0:
0x88: {  	s2 =	sld [smem:$0x3FD9]  }
0x89: {  	s3 =	sld [smem:$0x3FFE];
	_ =	sdelay $0x1  }
0x8a: {  	s1 =	srdreg.scid  }
0x8b: {  	s0 =	sand.u32 $0x1, s1  }
0x8c: {  	s17 =	sshll.u32 s0, $0xA;
	s2 =	sadd.s32 s3, s2  }
0x8d: {  	s2 =	sadd.s32 s2, s17  }
0x8e: {  	[smem:$0x3FC6] =	sst s2  }
0x8f: {  	_ = 	snop  }
0x90: {  	s2 =	sld [smem:$0x3FC9]  }
0x91: {  	s18 =	sld [smem:$0x3FC8];
	(tm) =	ssettm $0x1  }
0x92: {  	s4 =	sld [smem:$0x3FFB];
	_ =	sdelay $0x3  }
0x93: {  	_ =	strace s4  }
0x94: {  	s4 =	sld [smem:$0x3FFC];
	_ =	sdelay $0x3  }
0x95: {  	_ =	strace s4  }
0x96: {  	s4 =	sld [smem:$0x3FFD];
	_ =	sdelay $0x3  }
0x97: {  	_ =	strace s4  }
0x98: {  	_ =	strace $0x8FFFFFFF  }
0x99: {  	s19 =	sld [smem:$0x3FDB];
	_ =	sdelay $0x1  }
0x9a: {  	s5 =	simm.s32 $_scs_section_size  }
0x9b: {  	s6 =	simm.s32 $_size__tile_overlayer_lowered;
	s7 =	simm.s32 $_tile_overlayer_lowered  }
0x9c: {  	s22 =	simm.s32 $0x1BFF;
	s21 =	sshll.u32 s7, $0x1;
	s4 =	sadd.s32 s5, s19  }
0x9d: {  	s8 =	simm.s32 $0x0;
	s20 =	sshll.u32 s6, $0x1;
	s6 =	sadd.s32 s21, s4  }
0x9e: {  	[timem:s8], [sflag:s22] =	dma.local [hbm:s6], s20  }
0x9f: {  	_ =	swait.ge [sflag:s22], s20  }
0xa0: {  	s5 =	ssub.s32 $0x0, s20;
	[sflag:s22] =	ssyncset.done $0x0  }
0xa1: {  	[sflag:s22] =	ssyncadd.s32 s5;
	_ =	sdelay $0x1  }
0xa2: {  	s23 =	simm.s32 $0x1B8B  }
0xa3: {  	_ =	swait.ge [sflag:s23], $0x1  }
0xa4: {  	[sflag:s23] =	ssyncset.done $0x0  }
0xa5: {  	s25 =	simm.s32 $0x1B8E;
	s24 =	sld [smem:$0x3FFE];
	[sflag:s23] =	ssyncadd.s32 $0xFFFFFFFF  }
0xa6: {  	s26 =	simm.s32 $execute0_lowered;
	[smem:$0x3FD2] =	sst s25  }
0xa7: {  	s6 =	sshll.u32 s26, $0x1;
	_ =	strace $0x80000046;
	[dreg:$0x1] =	wrdreg $0xFFFFFFFF  }
0xa8: {  	s28 =	simm.s32 $_size_execute0_lowered;
	s4 =	sadd.s32 s4, s6;
	[dreg:$0x0] =	wrdreg $0x0  }
0xa9: {  	s6 =	sshll.u32 s28, $0x1;
	[dreg:$0x2] =	wrdreg s4  }
0xaa: {  	[dreg:$0x3] =	wrdreg s6  }
0xab: {  	[dreg:$0x4] =	wrdreg $0xC0  }
0xac: {  	_ =	task [dreg:s8], $0x5FFFF  }
0xad: {  	[dreg:$0x1] =	wrdreg $0xFFFFFFFF  }
0xae: {  	[dreg:$0x0] =	wrdreg $0x60  }
0xaf: {  	[dreg:$0x2] =	wrdreg s2  }
0xb0: {  	[dreg:$0x3] =	wrdreg s18  }
0xb1: {  	[dreg:$0x4] =	wrdreg s24  }
0xb2: {  	[dreg:$0x5] =	wrdreg $0x142800  }
0xb3: {  	[dreg:$0x6] =	wrdreg $0x9  }
0xb4: {  	_ =	task.clear_ibuf [dreg:s8], $0x7FFFF;
	_ =	strace $0x90000046  }
0xb5: {  	s29 =	simm.s32 $0x9;
	_ =	strace $0x80000048  }
0xb6: {  	_ =	swait.ge [sflag:s29], $0x1  }
0xb7: {  	[sflag:s29] =	ssyncadd.s32 $0xFFFFFFFF  }
0xb8: {  	_ =	strace $0x90000048  }
0xb9: {  	_ =	sfence  }
0xba: {  	s30 =	sld [smem:$0x0];
	_ =	sdelay $0x2  }
0xbb: {  	s31 =	sshll.u32 s1, $0xD;
	s1 =	sshrl.u32 s1, $0x2  }
0xbc: {  	s3 =	sand.u32 $0x4000, s31;
	s1 =	sadd.s32 s1, s30  }
0xbd: {  	s0 =	sor.u32 s3, s0;
	s1 =	sshll.u32 s1, $0x11  }
0xbe: {  	s0 =	sor.u32 s1, s0  }
0xbf: {  	s0 =	sadd.s32 $0x8F2B, s0  }
0xc0: {  	[sflag:s0] =	ssyncadd.remote.s32 $0x1  }
0xc1: {  	_ =	sfence.sel $0xFFFF  }
0xc2: {  	[dreg:$0x0] =	wrdreg $0xFFFFFFFF;
	(pc) =	sbr.abs _section_cstart, $3  }
0xc3: {  	[dreg:$0x1] =	wrdreg $0xFFFFFFFF  }
0xc4: {  	_ =	task.clear_ibuf [dreg:s8], $0x2FFFF;
	_ =	strace $0x9FFFFFFF  }
0xc5: {  	(tm) =	ssettm $0x7FFFFFFF  }
tec
execute0_lowered:
.L_overlay_start_1:
0x0: {  	(tag) =	ssettag $0x1  }
0x1: {  	s4 =	rddreg [dreg:$0x0]  }
0x2: {  	s0 =	rddreg [dreg:$0x1]  }
0x3: {  	s5 =	rddreg [dreg:$0x2];
	s1 =	srdreg.scid  }
0x4: {  	s6 =	rddreg [dreg:$0x3];
	s2 =	stileid.u32  }
0x5: {  	s3 =	simm.s32 $0x0;
	s14 =	simm.s32 $0x1400;
	s15 =	simm.s32 $0x14000  }
0x6: {  	s16 =	simm.s32 $0x7800;
	s17 =	simm.s32 $0xA280;
	s9 =	smul.u32 $0x14000, s2  }
0x7: {  	s7 =	sand.u32 $0x1, s1;
	s1 =	rddreg [dreg:$0x4];
	s10 =	smul.u32 $0x5000, s2  }
0x8: {  	s18 =	simm.s32 $0x0;
	[smem:$0x7FF] =	sst s3;
	s8 =	smul.u32 $0x140000, s7  }
0x9: {  	s11 =	sshrl.u32 s2, $0x3;
	s26 =	smul.u32 $0x50000, s7;
	s7 =	ssub.s32 $0x2, s7  }
0xa: {  	s30 =	sshll.u32 s2, $0x7;
	s11 =	smul.u32 $0x50000, s11;
	s12 =	sshrl.u32 s7, $0x1  }
0xb: {  	_ =	strace $0x80000047;
	s8 =	sadd.s32 s8, s9;
	s28 =	ssub.s32 s7, s12  }
0xc: {  	s29 =	sadd.s32 s10, s26;
	s31 =	sshrl.u32 s11, $0x2;
	s7 =	sand.u32 $0x380, s30  }
0xd: {  	s10 =	sshrl.u32 s10, $0x2;
	s11 =	simm.s32 $0x1;
	s12 =	simm.s32 $0x80  }
0xe: {  	s8 =	sshrl.u32 s8, $0x3;
	s9 =	sadd.s32 s31, s6;
	s6 =	sadd.s32 s10, s6  }
0xf: {  	s10 =	simm.s32 $0x5000;
	s13 =	sadd.s32 s8, s5;
	s5 =	sshrl.u32 s29, $0x3  }
0x10: {  	v1 =	vlaneseq.u32;
	s8 =	smax.u32 s28, $0x1;
	s4 =	sadd.s32 s4, s5;
	s5 =	sadd.s32 s7, s9  }
0x11: {  	v0 =	vimm.f32 $1.000000000e+00;
	v1 =	vmul.u32 $0x80, v1;
	s7 =	sadd.s32 $0x1800, s13;
	s9 =	sadd.s32 $0x400, s13;
	s13 =	simm.s32 $0x400  }
.LBB2_1:
0x12: {  	[tilespmem:s10], [sflag:$0x1] =	stream.linear.gather [hbm4b:s0+s3], $0x2800, $0x38;
	[tilespmem:$0x16A80] =	vst v63  }
0x13: {  	_ =	swait.ge [sflag:s11], $0x2800  }
0x14: {  	[sflag:s11] =	ssyncset.done $0x0  }
0x15: {  	[sflag:s11] =	ssyncadd.s32 $0xFFFFD800  }
0x16: {  	[tilespmem:s3], [sflag:$0x1] =	stream.linear.gather [hbm4b:s4+s3], $0x5000, $0x38;
	[tilespmem:$0x16A80] =	vst v63  }
0x17: {  	_ =	swait.ge [sflag:s11], $0x5000  }
0x18: {  	[sflag:s11] =	ssyncset.done $0x0  }
0x19: {  	s19 =	simm.s32 $0x0;
	[sflag:s11] =	ssyncadd.s32 $0xFFFFB000  }
.LBB2_2:
0x1a: {  	s20 =	sshra.s32 s19, $0x2  }
0x1b: {  	v2 =	vld [tilespmem:s20+$0x0];
	_ =	sdelay $0x7  }
0x1c: {  	[tilespmem:v2+s10+$0x0] =	vst.idx.add.f32.msk $0xffff, v0  }
0x1d: {  	v2 =	vld [tilespmem:s20+$0x10];
	_ =	sdelay $0x7  }
0x1e: {  	[tilespmem:v2+s10+$0x0] =	vst.idx.add.f32.msk $0xffff, v0  }
0x1f: {  	v2 =	vld [tilespmem:s20+$0x20];
	_ =	sdelay $0x7  }
0x20: {  	[tilespmem:v2+s10+$0x0] =	vst.idx.add.f32.msk $0xffff, v0  }
0x21: {  	v2 =	vld [tilespmem:s20+$0x30];
	_ =	sdelay $0x7  }
0x22: {  	[tilespmem:v2+s10+$0x0] =	vst.idx.add.f32.msk $0xffff, v0  }
0x23: {  	v2 =	vld [tilespmem:s20+$0x40];
	_ =	sdelay $0x7  }
0x24: {  	[tilespmem:v2+s10+$0x0] =	vst.idx.add.f32.msk $0xffff, v0  }
0x25: {  	v2 =	vld [tilespmem:s20+$0x50];
	_ =	sdelay $0x7  }
0x26: {  	[tilespmem:v2+s10+$0x0] =	vst.idx.add.f32.msk $0xffff, v0  }
0x27: {  	v2 =	vld [tilespmem:s20+$0x60];
	_ =	sdelay $0x7  }
0x28: {  	[tilespmem:v2+s10+$0x0] =	vst.idx.add.f32.msk $0xffff, v0  }
0x29: {  	v2 =	vld [tilespmem:s20+$0x70];
	_ =	sdelay $0x2  }
0x2a: {  	p0 =	sne.s32 s19, $0x13E00  }
.Ltmp0:
0x2b: {  	_ = 	snop;
	(pc) =	sbr.rel @p0 .LBB2_2-.Ltmp0, $2  }
0x2c: {  	_ =	sdelay $0x2  }
0x2d: {  	s19 =	sadd.s32 $0x200, s19;
	[tilespmem:v2+s10+$0x0] =	vst.idx.add.f32.msk $0xffff, v0  }
0x2e: {  	[spmem:s5] =	stream.strided.scatter [tilespmem:s10], [sflag:$0x1], $0x2800, s13, s12, $0x38;
	[tilespmem:$0x16A80] =	vst v63  }
0x2f: {  	_ =	swait.ge [sflag:s11], $0x2800  }
0x30: {  	[sflag:s11] =	ssyncset.done $0x0  }
0x31: {  	[sflag:s11] =	ssyncadd.s32 $0xFFFFD800  }
0x32: {  	[bflag:$0x0] =	sbarrier.arrive $0xFFFF  }
0x33: {  	[tilespmem:s16], [sflag:$0x1] =	stream.strided.gather [spmem:s6], $0x2800, s15, s14, $0x38;
	[tilespmem:$0x16A80] =	vst v63  }
0x34: {  	s20 =	simm.s32 $0x0;
	_ =	swait.ge [sflag:s11], $0x2800  }
0x35: {  	s19 =	sand.u32 $0x70, s20;
	s21 =	sand.u32 $0x1C00, s20;
	[sflag:s11] =	ssyncset.done $0x0  }
0x36: {  	s19 =	sor.u32 s19, s21;
	[sflag:s11] =	ssyncadd.s32 $0xFFFFD800  }
0x37: {  	v2 =	vld [tilespmem:s19+$0x7880]  }
0x38: {  	v3 =	vld [tilespmem:s19+$0x7800];
	_ =	sdelay $0x1  }
0x39: {  	v4 =	vld [tilespmem:s19+$0x7900];
	_ =	sdelay $0x1  }
0x3a: {  	v5 =	vld [tilespmem:s19+$0x7980]  }
0x3b: {  	v2 =	vadd.f32 v2, v3  }
0x3c: {  	v3 =	vld [tilespmem:s19+$0x7A00]  }
0x3d: {  	v2 =	vadd.f32 v4, v2  }
0x3e: {  	v56 =	vld [tilespmem:s19+$0x7A80]  }
0x3f: {  	v2 =	vadd.f32 v5, v2  }
0x40: {  	v57 =	vld [tilespmem:s19+$0x7B00]  }
0x41: {  	v2 =	vadd.f32 v3, v2  }
0x42: {  	v3 =	vld [tilespmem:s19+$0x7B80]  }
0x43: {  	v2 =	vadd.f32 v56, v2  }
0x44: {  	v58 =	vld [tilespmem:s19+$0x8C00]  }
0x45: {  	v2 =	vadd.f32 v57, v2  }
0x46: {  	v59 =	vld [tilespmem:s19+$0x8C80]  }
0x47: {  	v2 =	vadd.f32 v3, v2  }
0x48: {  	v3 =	vld [tilespmem:s19+$0x8D00]  }
0x49: {  	v2 =	vadd.f32 v58, v2  }
0x4a: {  	v60 =	vld [tilespmem:s19+$0x8D80]  }
0x4b: {  	v2 =	vadd.f32 v59, v2  }
0x4c: {  	v61 =	vld [tilespmem:s19+$0x8E00]  }
0x4d: {  	v2 =	vadd.f32 v3, v2  }
0x4e: {  	v3 =	vld [tilespmem:s19+$0x8E80]  }
0x4f: {  	v2 =	vadd.f32 v60, v2  }
0x50: {  	v62 =	vld [tilespmem:s19+$0x8F00]  }
0x51: {  	v2 =	vadd.f32 v61, v2  }
0x52: {  	v63 =	vld [tilespmem:s19+$0x8F80]  }
0x53: {  	v2 =	vadd.f32 v3, v2;
	_ =	sdelay $0x1  }
0x54: {  	v2 =	vadd.f32 v62, v2;
	_ =	sdelay $0x1  }
0x55: {  	s24 =	simm.s32 $0x80;
	s21 =	simm.s32 $0x10;
	v2 =	vadd.f32 v63, v2  }
0x56: {  	s23 =	sand.u32 $0x1C00, s24;
	s22 =	sand.u32 $0x70, s21;
	s19 =	simm.s32 $0xA000  }
0x57: {  	s25 =	simm.s32 $0x20;
	s23 =	sor.u32 s22, s23;
	s22 =	simm.s32 $0xA000;
	[tilespmem:s19+$0x0] =	vst v2  }
.LBB2_4:
0x58: {  	p0 =	sne.s32 s25, $0x270;
	v2 =	vld [tilespmem:s23+$0x7880]  }
0x59: {  	v3 =	vld [tilespmem:s23+$0x7800];
	_ =	sdelay $0x1  }
0x5a: {  	v4 =	vld [tilespmem:s23+$0x7900];
	_ =	sdelay $0x1  }
0x5b: {  	v5 =	vld [tilespmem:s23+$0x7980]  }
0x5c: {  	v2 =	vadd.f32 v2, v3  }
0x5d: {  	v3 =	vld [tilespmem:s23+$0x7A00]  }
0x5e: {  	v2 =	vadd.f32 v4, v2  }
0x5f: {  	v4 =	vld [tilespmem:s23+$0x7A80]  }
0x60: {  	v2 =	vadd.f32 v5, v2  }
0x61: {  	v5 =	vld [tilespmem:s23+$0x7B00]  }
0x62: {  	v2 =	vadd.f32 v3, v2  }
0x63: {  	v3 =	vld [tilespmem:s23+$0x7B80]  }
0x64: {  	v2 =	vadd.f32 v4, v2  }
0x65: {  	v4 =	vld [tilespmem:s23+$0x8C00]  }
0x66: {  	v2 =	vadd.f32 v5, v2  }
0x67: {  	v5 =	vld [tilespmem:s23+$0x8C80]  }
0x68: {  	v2 =	vadd.f32 v3, v2  }
0x69: {  	v3 =	vld [tilespmem:s23+$0x8D00]  }
0x6a: {  	v2 =	vadd.f32 v4, v2  }
0x6b: {  	v4 =	vld [tilespmem:s23+$0x8D80]  }
0x6c: {  	v2 =	vadd.f32 v5, v2  }
0x6d: {  	v5 =	vld [tilespmem:s23+$0x8E00]  }
0x6e: {  	v2 =	vadd.f32 v3, v2  }
0x6f: {  	v3 =	vld [tilespmem:s23+$0x8E80]  }
0x70: {  	v2 =	vadd.f32 v4, v2  }
0x71: {  	v4 =	vld [tilespmem:s23+$0x8F00]  }
0x72: {  	v2 =	vadd.f32 v5, v2  }
0x73: {  	v5 =	vld [tilespmem:s23+$0x8F80]  }
0x74: {  	v2 =	vadd.f32 v3, v2;
	_ =	sdelay $0x1  }
.Ltmp1:
0x75: {  	v2 =	vadd.f32 v4, v2;
	(pc) =	sbr.rel @p0 .LBB2_4-.Ltmp1, $4  }
0x76: {  	_ = 	snop  }
0x77: {  	s24 =	sadd.s32 $0x80, s24;
	v2 =	vadd.f32 v5, v2  }
0x78: {  	s22 =	sadd.s32 $0x10, s22;
	s26 =	sand.u32 $0x1C00, s24;
	s23 =	sand.u32 $0x70, s25  }
0x79: {  	s25 =	sadd.s32 $0x10, s25;
	s23 =	sor.u32 s23, s26;
	[tilespmem:s22+$0x0] =	vst v2  }
0x7a: {  	v2 =	vld [tilespmem:s23+$0x7880]  }
0x7b: {  	v3 =	vld [tilespmem:s23+$0x7800];
	_ =	sdelay $0x1  }
0x7c: {  	v4 =	vld [tilespmem:s23+$0x7900];
	_ =	sdelay $0x1  }
0x7d: {  	v5 =	vld [tilespmem:s23+$0x7980]  }
0x7e: {  	v2 =	vadd.f32 v2, v3  }
0x7f: {  	v3 =	vld [tilespmem:s23+$0x7A00]  }
0x80: {  	v2 =	vadd.f32 v4, v2  }
0x81: {  	v4 =	vld [tilespmem:s23+$0x7A80]  }
0x82: {  	v2 =	vadd.f32 v5, v2  }
0x83: {  	v5 =	vld [tilespmem:s23+$0x7B00]  }
0x84: {  	v2 =	vadd.f32 v3, v2  }
0x85: {  	v3 =	vld [tilespmem:s23+$0x7B80]  }
0x86: {  	v2 =	vadd.f32 v4, v2  }
0x87: {  	v4 =	vld [tilespmem:s23+$0x8C00]  }
0x88: {  	v2 =	vadd.f32 v5, v2  }
0x89: {  	v5 =	vld [tilespmem:s23+$0x8C80]  }
0x8a: {  	v2 =	vadd.f32 v3, v2  }
0x8b: {  	v3 =	vld [tilespmem:s23+$0x8D00]  }
0x8c: {  	v2 =	vadd.f32 v4, v2  }
0x8d: {  	v4 =	vld [tilespmem:s23+$0x8D80]  }
0x8e: {  	v2 =	vadd.f32 v5, v2  }
0x8f: {  	v5 =	vld [tilespmem:s23+$0x8E00]  }
0x90: {  	v2 =	vadd.f32 v3, v2  }
0x91: {  	v3 =	vld [tilespmem:s23+$0x8E80]  }
0x92: {  	v2 =	vadd.f32 v4, v2  }
0x93: {  	v4 =	vld [tilespmem:s23+$0x8F00]  }
0x94: {  	v2 =	vadd.f32 v5, v2  }
0x95: {  	v5 =	vld [tilespmem:s23+$0x8F80]  }
0x96: {  	v2 =	vadd.f32 v3, v2;
	_ =	sdelay $0x1  }
0x97: {  	v2 =	vadd.f32 v4, v2;
	_ =	sdelay $0x1  }
0x98: {  	v2 =	vadd.f32 v5, v2  }
0x99: {  	s22 =	sadd.s32 $0x10, s22;
	v3 =	vmov s20  }
0x9a: {  	v3 =	vshll.u32 v3, $0x7;
	[tilespmem:s22+$0x0] =	vst v2  }
0x9b: {  	v3 =	vor.u32 v1, v3;
	v2 =	vld [tilespmem:s19+$0x0]  }
0x9c: {  	v4 =	vor.u32 $0x1, v3  }
0x9d: {  	v5 =	vor.u32 $0x2, v3  }
0x9e: {  	v6 =	vor.u32 $0x3, v3  }
0x9f: {  	v7 =	vor.u32 $0x4, v3  }
0xa0: {  	v8 =	vor.u32 $0x5, v3;
	[tilespmem:v3+s17+$0x0] =	vst.idx.msk $0xffff, v2  }
0xa1: {  	[tilespmem:v4+s17+$0x0] =	vst.idx.msk $0xffff, v2;
	v4 =	vor.u32 $0x6, v3  }
0xa2: {  	[tilespmem:v5+s17+$0x0] =	vst.idx.msk $0xffff, v2;
	v5 =	vor.u32 $0x7, v3  }
0xa3: {  	[tilespmem:v6+s17+$0x0] =	vst.idx.msk $0xffff, v2;
	v6 =	vor.u32 $0x8, v3  }
0xa4: {  	[tilespmem:v7+s17+$0x0] =	vst.idx.msk $0xffff, v2;
	v7 =	vor.u32 $0x9, v3  }
0xa5: {  	v63 =	vor.u32 $0xA, v3;
	[tilespmem:v8+s17+$0x0] =	vst.idx.msk $0xffff, v2  }
0xa6: {  	[tilespmem:v4+s17+$0x0] =	vst.idx.msk $0xffff, v2;
	v4 =	vor.u32 $0xB, v3  }
0xa7: {  	[tilespmem:v5+s17+$0x0] =	vst.idx.msk $0xffff, v2;
	v5 =	vor.u32 $0xC, v3  }
0xa8: {  	[tilespmem:v6+s17+$0x0] =	vst.idx.msk $0xffff, v2;
	v6 =	vor.u32 $0xD, v3  }
0xa9: {  	[tilespmem:v7+s17+$0x0] =	vst.idx.msk $0xffff, v2;
	v7 =	vor.u32 $0xE, v3  }
0xaa: {  	[tilespmem:v63+s17+$0x0] =	vst.idx.msk $0xffff, v2  }
0xab: {  	v3 =	vor.u32 $0xF, v3;
	[tilespmem:v4+s17+$0x0] =	vst.idx.msk $0xffff, v2  }
0xac: {  	[tilespmem:v5+s17+$0x0] =	vst.idx.msk $0xffff, v2  }
0xad: {  	[tilespmem:v6+s17+$0x0] =	vst.idx.msk $0xffff, v2  }
0xae: {  	s20 =	simm.s32 $0x20;
	v4 =	vmov s21;
	[tilespmem:v7+s17+$0x0] =	vst.idx.msk $0xffff, v2  }
.LBB2_6:
0xaf: {  	p0 =	sne.s32 s20, $0x130  }
0xb0: {  	v4 =	vshll.u32 v4, $0x7;
	[tilespmem:v3+s17+$0x0] =	vst.idx.msk $0xffff, v2;
	s19 =	sadd.s32 $0x10, s19;
	s21 =	smov.u32 s20;
	s20 =	sadd.s32 $0x10, s20  }
0xb1: {  	v2 =	vld [tilespmem:s19+$0x0];
	v3 =	vor.u32 v1, v4  }
0xb2: {  	v4 =	vor.u32 $0x1, v3  }
0xb3: {  	v5 =	vor.u32 $0x2, v3  }
0xb4: {  	v6 =	vor.u32 $0x3, v3  }
0xb5: {  	v7 =	vor.u32 $0x4, v3  }
0xb6: {  	v8 =	vor.u32 $0x5, v3;
	[tilespmem:v3+s17+$0x0] =	vst.idx.msk $0xffff, v2  }
0xb7: {  	[tilespmem:v4+s17+$0x0] =	vst.idx.msk $0xffff, v2;
	v4 =	vor.u32 $0x6, v3  }
0xb8: {  	[tilespmem:v5+s17+$0x0] =	vst.idx.msk $0xffff, v2;
	v5 =	vor.u32 $0x7, v3  }
0xb9: {  	[tilespmem:v6+s17+$0x0] =	vst.idx.msk $0xffff, v2;
	v6 =	vor.u32 $0x8, v3  }
0xba: {  	[tilespmem:v7+s17+$0x0] =	vst.idx.msk $0xffff, v2;
	v7 =	vor.u32 $0x9, v3  }
0xbb: {  	[tilespmem:v8+s17+$0x0] =	vst.idx.msk $0xffff, v2;
	v8 =	vor.u32 $0xA, v3  }
0xbc: {  	[tilespmem:v4+s17+$0x0] =	vst.idx.msk $0xffff, v2;
	v4 =	vor.u32 $0xB, v3  }
0xbd: {  	[tilespmem:v5+s17+$0x0] =	vst.idx.msk $0xffff, v2;
	v5 =	vor.u32 $0xC, v3  }
0xbe: {  	[tilespmem:v6+s17+$0x0] =	vst.idx.msk $0xffff, v2;
	v6 =	vor.u32 $0xD, v3  }
0xbf: {  	[tilespmem:v7+s17+$0x0] =	vst.idx.msk $0xffff, v2;
	v7 =	vor.u32 $0xE, v3  }
.Ltmp2:
0xc0: {  	v3 =	vor.u32 $0xF, v3;
	[tilespmem:v8+s17+$0x0] =	vst.idx.msk $0xffff, v2;
	(pc) =	sbr.rel @p0 .LBB2_6-.Ltmp2, $4  }
0xc1: {  	[tilespmem:v4+s17+$0x0] =	vst.idx.msk $0xffff, v2  }
0xc2: {  	[tilespmem:v5+s17+$0x0] =	vst.idx.msk $0xffff, v2  }
0xc3: {  	[tilespmem:v6+s17+$0x0] =	vst.idx.msk $0xffff, v2  }
0xc4: {  	v4 =	vmov s21;
	[tilespmem:v7+s17+$0x0] =	vst.idx.msk $0xffff, v2  }
0xc5: {  	_ =	sdelay $0x3  }
0xc6: {  	v4 =	vshll.u32 v4, $0x7;
	[tilespmem:v3+s17+$0x0] =	vst.idx.msk $0xffff, v2;
	s19 =	sadd.s32 $0x10, s19  }
0xc7: {  	v2 =	vld [tilespmem:s19+$0x0];
	v3 =	vor.u32 v1, v4  }
0xc8: {  	v4 =	vor.u32 $0x1, v3  }
0xc9: {  	v5 =	vor.u32 $0x2, v3  }
0xca: {  	v6 =	vor.u32 $0x3, v3  }
0xcb: {  	v7 =	vor.u32 $0x4, v3  }
0xcc: {  	v8 =	vor.u32 $0x5, v3;
	[tilespmem:v3+s17+$0x0] =	vst.idx.msk $0xffff, v2  }
0xcd: {  	[tilespmem:v4+s17+$0x0] =	vst.idx.msk $0xffff, v2;
	v4 =	vor.u32 $0x6, v3  }
0xce: {  	[tilespmem:v5+s17+$0x0] =	vst.idx.msk $0xffff, v2;
	v5 =	vor.u32 $0x7, v3  }
0xcf: {  	[tilespmem:v6+s17+$0x0] =	vst.idx.msk $0xffff, v2;
	v6 =	vor.u32 $0x8, v3  }
0xd0: {  	[tilespmem:v7+s17+$0x0] =	vst.idx.msk $0xffff, v2;
	v7 =	vor.u32 $0x9, v3  }
0xd1: {  	v61 =	vor.u32 $0xA, v3;
	[tilespmem:v8+s17+$0x0] =	vst.idx.msk $0xffff, v2  }
0xd2: {  	[tilespmem:v4+s17+$0x0] =	vst.idx.msk $0xffff, v2;
	v4 =	vor.u32 $0xB, v3  }
0xd3: {  	[tilespmem:v5+s17+$0x0] =	vst.idx.msk $0xffff, v2;
	v5 =	vor.u32 $0xC, v3  }
0xd4: {  	[tilespmem:v6+s17+$0x0] =	vst.idx.msk $0xffff, v2;
	v6 =	vor.u32 $0xD, v3  }
0xd5: {  	[tilespmem:v7+s17+$0x0] =	vst.idx.msk $0xffff, v2;
	v7 =	vor.u32 $0xE, v3  }
0xd6: {  	v3 =	vor.u32 $0xF, v3;
	[tilespmem:v61+s17+$0x0] =	vst.idx.msk $0xffff, v2  }
0xd7: {  	[tilespmem:v4+s17+$0x0] =	vst.idx.msk $0xffff, v2  }
0xd8: {  	[tilespmem:v5+s17+$0x0] =	vst.idx.msk $0xffff, v2  }
0xd9: {  	[tilespmem:v6+s17+$0x0] =	vst.idx.msk $0xffff, v2  }
0xda: {  	[tilespmem:v7+s17+$0x0] =	vst.idx.msk $0xffff, v2  }
0xdb: {  	s31 =	simm.s32 $0x0;
	[tilespmem:v3+s17+$0x0] =	vst.idx.msk $0xffff, v2  }
0xdc: {  	[hbm4b:s9+s31] =	stream.linear.scatter [tilespmem:s17], [sflag:$0x1], $0xA000, $0x38;
	[tilespmem:$0x16A80] =	vst v63  }
0xdd: {  	_ =	swait.ge [sflag:s11], $0xA000  }
0xde: {  	v2 =	vmov s31;
	[sflag:s11] =	ssyncset.done $0x0  }
0xdf: {  	s19 =	simm.s32 $0xA140;
	v3 =	vshll.u32 v2, $0x7;
	[sflag:s11] =	ssyncadd.s32 $0xFFFF6000  }
0xe0: {  	v3 =	vor.u32 v1, v3;
	v2 =	vld [tilespmem:s19+$0x0]  }
0xe1: {  	v4 =	vor.u32 $0x1, v3  }
0xe2: {  	v5 =	vor.u32 $0x2, v3  }
0xe3: {  	v6 =	vor.u32 $0x3, v3  }
0xe4: {  	v7 =	vor.u32 $0x4, v3  }
0xe5: {  	v62 =	vor.u32 $0x5, v3;
	[tilespmem:v3+s17+$0x0] =	vst.idx.msk $0xffff, v2  }
0xe6: {  	[tilespmem:v4+s17+$0x0] =	vst.idx.msk $0xffff, v2;
	v4 =	vor.u32 $0x6, v3  }
0xe7: {  	[tilespmem:v5+s17+$0x0] =	vst.idx.msk $0xffff, v2;
	v5 =	vor.u32 $0x7, v3  }
0xe8: {  	[tilespmem:v6+s17+$0x0] =	vst.idx.msk $0xffff, v2;
	v6 =	vor.u32 $0x8, v3  }
0xe9: {  	[tilespmem:v7+s17+$0x0] =	vst.idx.msk $0xffff, v2;
	v7 =	vor.u32 $0x9, v3  }
0xea: {  	v63 =	vor.u32 $0xA, v3;
	[tilespmem:v62+s17+$0x0] =	vst.idx.msk $0xffff, v2  }
0xeb: {  	[tilespmem:v4+s17+$0x0] =	vst.idx.msk $0xffff, v2;
	v4 =	vor.u32 $0xB, v3  }
0xec: {  	[tilespmem:v5+s17+$0x0] =	vst.idx.msk $0xffff, v2;
	v5 =	vor.u32 $0xC, v3  }
0xed: {  	[tilespmem:v6+s17+$0x0] =	vst.idx.msk $0xffff, v2;
	v6 =	vor.u32 $0xD, v3  }
0xee: {  	[tilespmem:v7+s17+$0x0] =	vst.idx.msk $0xffff, v2;
	v7 =	vor.u32 $0xE, v3  }
0xef: {  	[tilespmem:v63+s17+$0x0] =	vst.idx.msk $0xffff, v2  }
0xf0: {  	v3 =	vor.u32 $0xF, v3;
	[tilespmem:v4+s17+$0x0] =	vst.idx.msk $0xffff, v2  }
0xf1: {  	[tilespmem:v5+s17+$0x0] =	vst.idx.msk $0xffff, v2  }
0xf2: {  	s21 =	simm.s32 $0x10;
	[tilespmem:v6+s17+$0x0] =	vst.idx.msk $0xffff, v2  }
0xf3: {  	s20 =	simm.s32 $0x20;
	v4 =	vmov s21;
	[tilespmem:v7+s17+$0x0] =	vst.idx.msk $0xffff, v2  }
.LBB2_8:
0xf4: {  	p0 =	sne.s32 s20, $0x130  }
0xf5: {  	v4 =	vshll.u32 v4, $0x7;
	[tilespmem:v3+s17+$0x0] =	vst.idx.msk $0xffff, v2;
	s19 =	sadd.s32 $0x10, s19;
	s21 =	smov.u32 s20;
	s20 =	sadd.s32 $0x10, s20  }
0xf6: {  	v2 =	vld [tilespmem:s19+$0x0];
	v3 =	vor.u32 v1, v4  }
0xf7: {  	v4 =	vor.u32 $0x1, v3  }
0xf8: {  	v5 =	vor.u32 $0x2, v3  }
0xf9: {  	v6 =	vor.u32 $0x3, v3  }
0xfa: {  	v7 =	vor.u32 $0x4, v3  }
0xfb: {  	v8 =	vor.u32 $0x5, v3;
	[tilespmem:v3+s17+$0x0] =	vst.idx.msk $0xffff, v2  }
0xfc: {  	[tilespmem:v4+s17+$0x0] =	vst.idx.msk $0xffff, v2;
	v4 =	vor.u32 $0x6, v3  }
0xfd: {  	[tilespmem:v5+s17+$0x0] =	vst.idx.msk $0xffff, v2;
	v5 =	vor.u32 $0x7, v3  }
0xfe: {  	[tilespmem:v6+s17+$0x0] =	vst.idx.msk $0xffff, v2;
	v6 =	vor.u32 $0x8, v3  }
0xff: {  	[tilespmem:v7+s17+$0x0] =	vst.idx.msk $0xffff, v2;
	v7 =	vor.u32 $0x9, v3  }
0x100: {  	[tilespmem:v8+s17+$0x0] =	vst.idx.msk $0xffff, v2;
	v8 =	vor.u32 $0xA, v3  }
0x101: {  	[tilespmem:v4+s17+$0x0] =	vst.idx.msk $0xffff, v2;
	v4 =	vor.u32 $0xB, v3  }
0x102: {  	[tilespmem:v5+s17+$0x0] =	vst.idx.msk $0xffff, v2;
	v5 =	vor.u32 $0xC, v3  }
0x103: {  	[tilespmem:v6+s17+$0x0] =	vst.idx.msk $0xffff, v2;
	v6 =	vor.u32 $0xD, v3  }
0x104: {  	[tilespmem:v7+s17+$0x0] =	vst.idx.msk $0xffff, v2;
	v7 =	vor.u32 $0xE, v3  }
.Ltmp3:
0x105: {  	v3 =	vor.u32 $0xF, v3;
	[tilespmem:v8+s17+$0x0] =	vst.idx.msk $0xffff, v2;
	(pc) =	sbr.rel @p0 .LBB2_8-.Ltmp3, $4  }
0x106: {  	[tilespmem:v4+s17+$0x0] =	vst.idx.msk $0xffff, v2  }
0x107: {  	[tilespmem:v5+s17+$0x0] =	vst.idx.msk $0xffff, v2  }
0x108: {  	[tilespmem:v6+s17+$0x0] =	vst.idx.msk $0xffff, v2  }
0x109: {  	v4 =	vmov s21;
	[tilespmem:v7+s17+$0x0] =	vst.idx.msk $0xffff, v2  }
0x10a: {  	_ =	sdelay $0x3  }
0x10b: {  	v4 =	vshll.u32 v4, $0x7;
	[tilespmem:v3+s17+$0x0] =	vst.idx.msk $0xffff, v2;
	s19 =	sadd.s32 $0x10, s19  }
0x10c: {  	v2 =	vld [tilespmem:s19+$0x0];
	v3 =	vor.u32 v1, v4  }
0x10d: {  	v4 =	vor.u32 $0x1, v3  }
0x10e: {  	v5 =	vor.u32 $0x2, v3  }
0x10f: {  	v6 =	vor.u32 $0x3, v3  }
0x110: {  	v7 =	vor.u32 $0x4, v3  }
0x111: {  	v8 =	vor.u32 $0x5, v3;
	[tilespmem:v3+s17+$0x0] =	vst.idx.msk $0xffff, v2  }
0x112: {  	v55 =	vor.u32 $0x6, v3;
	[tilespmem:v4+s17+$0x0] =	vst.idx.msk $0xffff, v2  }
0x113: {  	v56 =	vor.u32 $0x7, v3;
	[tilespmem:v5+s17+$0x0] =	vst.idx.msk $0xffff, v2  }
0x114: {  	v57 =	vor.u32 $0x8, v3;
	[tilespmem:v6+s17+$0x0] =	vst.idx.msk $0xffff, v2  }
0x115: {  	v58 =	vor.u32 $0x9, v3;
	[tilespmem:v7+s17+$0x0] =	vst.idx.msk $0xffff, v2  }
0x116: {  	v59 =	vor.u32 $0xA, v3;
	[tilespmem:v8+s17+$0x0] =	vst.idx.msk $0xffff, v2  }
0x117: {  	v60 =	vor.u32 $0xB, v3;
	[tilespmem:v55+s17+$0x0] =	vst.idx.msk $0xffff, v2  }
0x118: {  	v61 =	vor.u32 $0xC, v3;
	[tilespmem:v56+s17+$0x0] =	vst.idx.msk $0xffff, v2  }
0x119: {  	v62 =	vor.u32 $0xD, v3;
	[tilespmem:v57+s17+$0x0] =	vst.idx.msk $0xffff, v2  }
0x11a: {  	v63 =	vor.u32 $0xE, v3;
	[tilespmem:v58+s17+$0x0] =	vst.idx.msk $0xffff, v2  }
0x11b: {  	v3 =	vor.u32 $0xF, v3;
	[tilespmem:v59+s17+$0x0] =	vst.idx.msk $0xffff, v2  }
0x11c: {  	[tilespmem:v60+s17+$0x0] =	vst.idx.msk $0xffff, v2  }
0x11d: {  	[tilespmem:v61+s17+$0x0] =	vst.idx.msk $0xffff, v2  }
0x11e: {  	s18 =	sadd.s32 $0x1, s18;
	[tilespmem:v62+s17+$0x0] =	vst.idx.msk $0xffff, v2  }
0x11f: {  	p0 =	sne.s32 s18, s8;
	[tilespmem:v63+s17+$0x0] =	vst.idx.msk $0xffff, v2  }
.Ltmp4:
0x120: {  	[tilespmem:v3+s17+$0x0] =	vst.idx.msk $0xffff, v2;
	(pc) =	sbr.rel @p0 .LBB2_1-.Ltmp4, $4  }
0x121: {  	[hbm4b:s7+s3] =	stream.linear.scatter [tilespmem:s17], [sflag:$0x1], $0xA000, $0x38;
	[tilespmem:$0x16A80] =	vst v63  }
0x122: {  	_ =	swait.ge [sflag:s11], $0xA000  }
0x123: {  	[sflag:s11] =	ssyncset.done $0x0  }
0x124: {  	[sflag:s11] =	ssyncadd.s32 $0xFFFF6000  }
0x125: {  	_ =	sfence.sel $0x180000  }
0x126: {  	[bflag:$0x0] =	sbarrier.arrive $0xFFFF  }
0x127: {  	p0 =	sne.s32 s2, $0x0;
	_ =	strace $0x90000047  }
0x128: {  	s0 =	sadd.s32 @!p0 $0x100000, s1;
	[bflag:$0x2] =	sbarrier.arrive $0xFFFF  }
0x129: {  	[sflag:s0] =	ssyncadd.tile.s32 @!p0 $0x1;
	_ =	shalt  }
.Lfunc_end2:
_tile_overlayer_lowered:
.L_overlay_start_2:
0x12a: {  	(tag) =	ssettag $0x2  }
0x12b: {  	s0 =	rddreg [dreg:$0x0];
	s2 =	stileid.u32  }
0x12c: {  	s1 =	rddreg [dreg:$0x1];
	p0 =	sne.s32 s2, $0x0  }
0x12d: {  	s3 =	rddreg [dreg:$0x2];
	[bflag:$0x3] =	sbarrier.arrive $0xFFFF;
	s2 =	simm.s32 @!p0 $0x1C01  }
0x12e: {  	[timem:s3], [sflag:s2] =	dma.local @!p0 [hbm:s0], s1  }
0x12f: {  	s0 =	simm.s32 @!p0 $0x1  }
0x130: {  	_ =	swait.ge @!p0 [sflag:s0], s1  }
0x131: {  	s1 =	ssub.s32 @!p0 $0x0, s1;
	[sflag:s0] =	ssyncset.done @!p0 $0x0  }
0x132: {  	[sflag:s0] =	ssyncadd.s32 @!p0 s1  }
0x133: {  	[bflag:$0x3] =	sbarrier.arrive $0xFFFF  }
0x134: {  	_ =	shalt  }

</sc_bundles>
